<compile_context>
chip_gen: v7x
topology: tpu7x:2x2x1
jax: 0.10.2.dev20260603
libtpu: 0.0.44.dev20260713+nightly
codegen_flags: <defaults>
</compile_context>

<pallas_src>
import functools

import jax
import jax.numpy as jnp
from jax import lax
from jax.experimental import pallas as pl
from jax.experimental.pallas import tpu as pltpu
from jax.experimental.pallas import tpu_sc as plsc

VOCAB = 1000000
DIM = 64
BATCH = 4096
HIST = 200
B = BATCH * HIST

NC = 2
NS = 16
NW = NC * NS
B_PER_W = B // NW
CHUNK = 800
NCHUNK = B_PER_W // CHUNK
NBUF = 2
NPAIR = NCHUNK // NBUF

_mesh = plsc.VectorSubcoreMesh(core_axis_name="c", subcore_axis_name="s")


@functools.partial(
    pl.kernel,
    mesh=_mesh,
    out_type=jax.ShapeDtypeStruct((B, DIM), jnp.float32),
    scratch_types=[
        pltpu.VMEM((NBUF, CHUNK), jnp.int32),
        pltpu.VMEM((NBUF, CHUNK, DIM), jnp.float32),
        pltpu.SemaphoreType.DMA,
        pltpu.SemaphoreType.DMA,
        pltpu.SemaphoreType.DMA,
    ],
    compiler_params=pltpu.CompilerParams(use_tc_tiling_on_sc=False),
)
def _gather(table_hbm, idx_hbm, out_hbm, idx_v, rows_v, sem_l, sem_g, sem_w):
    wid = lax.axis_index("s") * NC + lax.axis_index("c")
    base = wid * B_PER_W

    def load(i, b):
        pltpu.async_copy(
            idx_hbm.at[pl.ds(base + i * CHUNK, CHUNK)], idx_v.at[b], sem_l)

    def wait_load(b):
        pltpu.make_async_copy(
            idx_hbm.at[pl.ds(base, CHUNK)], idx_v.at[b], sem_l).wait()

    def gather(b):
        return pltpu.async_copy(table_hbm.at[idx_v.at[b]], rows_v.at[b], sem_g)

    def write(i, b):
        pltpu.async_copy(
            rows_v.at[b], out_hbm.at[pl.ds(base + i * CHUNK, CHUNK)], sem_w)

    def wait_write(b):
        pltpu.make_async_copy(
            rows_v.at[b], out_hbm.at[pl.ds(base, CHUNK)], sem_w).wait()

    for b in range(NBUF):
        load(b, b)
    for b in range(NBUF):
        wait_load(b)
        gather(b).wait()
        write(b, b)
        load(b + NBUF, b)

    def body(k, carry):
        for b in range(NBUF):
            i = k * NBUF + b
            wait_write(b)
            wait_load(b)
            gather(b).wait()
            write(i, b)
            load(i + NBUF, b)
        return carry

    lax.fori_loop(1, NPAIR - 1, body, 0)

    for b in range(NBUF):
        i = NCHUNK - NBUF + b
        wait_write(b)
        wait_load(b)
        gather(b).wait()
        write(i, b)
    for b in range(NBUF):
        wait_write(b)


def kernel(inputs, table):
    idx = inputs.reshape(B)
    out = _gather(table, idx)
    return out.reshape(BATCH, HIST, DIM)

# --- scband reference (transcript-rebuilt; emitter-appended) ---
"""Pipeline reference for scband-embs-19696720019682 (READ-ONLY COPY).

The authoritative reference and input builder live on the scoring server;
editing this copy changes nothing except your own understanding.
"""

import jax, jax.numpy as jnp
import numpy as np

VOCAB = 1000000
DIM = 64
BATCH = 4096
HIST = 200

def setup_inputs(seed: int = 0) -> dict:
    key = jax.random.key(seed)
    k1, k2 = jax.random.split(key)
    inputs = jax.random.randint(k1, (BATCH, HIST), 0, VOCAB, dtype=jnp.int32)
    # random_embedding: uniform(-scale, scale) with scale = sqrt(3/dim)
    scale = float(np.sqrt(3.0 / DIM))
    table = jax.random.uniform(k2, (VOCAB, DIM), minval=-scale, maxval=scale, dtype=jnp.float32)
    return {"inputs": inputs, "table": table}

def reference(inputs, table):
    # zero_padding=False -> no zeroing of rows; drop_rate=0.0 -> dropout is identity
    # auxiliary_embs=None -> plain embedding lookup
    embs = jnp.take(table, inputs, axis=0)
    return embs

if __name__ == "__main__":
    import jax
    _d = setup_inputs()
    print(jax.jit(kernel)(*tuple(_d.values())))

</pallas_src>

<mosaic_0001>
#map = affine_map<(d0, d1) -> (0, 0)>
#map1 = affine_map<(d0, d1) -> (0)>
module attributes {stable_mosaic.version = 14 : i64} {
  func.func @_gather(%arg0: i32, %arg1: i32, %arg2: memref<1000000x64xf32, #tpu.memory_space<hbm>>, %arg3: memref<819200xi32, #tpu.memory_space<hbm>>, %arg4: memref<819200x64xf32, #tpu.memory_space<hbm>>, %arg5: memref<2x800xi32, #tpu.memory_space<vmem>>, %arg6: memref<2x800x64xf32, #tpu.memory_space<vmem>>, %arg7: memref<!tpu.dma_semaphore, #tpu.memory_space<semaphore_mem>>, %arg8: memref<!tpu.dma_semaphore, #tpu.memory_space<semaphore_mem>>, %arg9: memref<!tpu.dma_semaphore, #tpu.memory_space<semaphore_mem>>) attributes {dimension_semantics = [#tpu.dimension_semantics<core_parallel>, #tpu.dimension_semantics<subcore_parallel>], iteration_bounds = array<i64: 2, 16>, scalar_prefetch = 0 : i64, scratch_operands = 5 : i64, tpu.core_type = #tpu.core_type<sc_vector_subcore>, window_params = [{transform_indices = #map}, {transform_indices = #map1}, {transform_indices = #map}]} {
    %mul3A = arith.constant 2 : i32
    %mul3A_0 = arith.muli %arg1, %mul3A : i32
    %add3A = arith.addi %mul3A_0, %arg0 : i32
    %mul3A_1 = arith.constant 25600 : i32
    %mul3A_2 = arith.muli %add3A, %mul3A_1 : i32
    %add3A_3 = arith.constant 0 : i32
    %add3A_4 = arith.addi %mul3A_2, %add3A_3 : i32
    %dma_start3A = arith.constant 0 : i32
    %dma_start3A_5 = arith.constant 0 : i32
    %dma_start3A_6 = tpu.memref_slice %arg5[%dma_start3A, %dma_start3A_5] : memref<2x800xi32, #tpu.memory_space<vmem>> -> memref<1x800xi32, #tpu.memory_space<vmem>>
    %dma_start3A_7 = tpu.memref_squeeze %dma_start3A_6 : memref<1x800xi32, #tpu.memory_space<vmem>> -> memref<800xi32, #tpu.memory_space<vmem>>
    %dma_start3A_8 = tpu.memref_slice %arg3[%add3A_4] : memref<819200xi32, #tpu.memory_space<hbm>> -> memref<800xi32, #tpu.memory_space<hbm>>
    %dma_start3A_9 = arith.constant 0 : i32
    %dma_start3A_10 = tpu.memref_slice %arg5[%dma_start3A, %dma_start3A_9] : memref<2x800xi32, #tpu.memory_space<vmem>> -> memref<1x800xi32, #tpu.memory_space<vmem>>
    %dma_start3A_11 = tpu.memref_squeeze %dma_start3A_10 : memref<1x800xi32, #tpu.memory_space<vmem>> -> memref<800xi32, #tpu.memory_space<vmem>>
    %dma_start3A_12 = tpu.memref_slice %arg3[%add3A_4] : memref<819200xi32, #tpu.memory_space<hbm>> -> memref<800xi32, #tpu.memory_space<hbm>>
    tpu.enqueue_dma source(%dma_start3A_12 : memref<800xi32, #tpu.memory_space<hbm>>) target(%dma_start3A_11 : memref<800xi32, #tpu.memory_space<vmem>>) target_semaphore(%arg7 : memref<!tpu.dma_semaphore, #tpu.memory_space<semaphore_mem>>)
    %add3A_13 = arith.constant 800 : i32
    %add3A_14 = arith.addi %mul3A_2, %add3A_13 : i32
    %dma_start3A_15 = arith.constant 1 : i32
    %dma_start3A_16 = arith.constant 0 : i32
    %dma_start3A_17 = tpu.memref_slice %arg5[%dma_start3A_15, %dma_start3A_16] : memref<2x800xi32, #tpu.memory_space<vmem>> -> memref<1x800xi32, #tpu.memory_space<vmem>>
    %dma_start3A_18 = tpu.memref_squeeze %dma_start3A_17 : memref<1x800xi32, #tpu.memory_space<vmem>> -> memref<800xi32, #tpu.memory_space<vmem>>
    %dma_start3A_19 = tpu.memref_slice %arg3[%add3A_14] : memref<819200xi32, #tpu.memory_space<hbm>> -> memref<800xi32, #tpu.memory_space<hbm>>
    %dma_start3A_20 = arith.constant 0 : i32
    %dma_start3A_21 = tpu.memref_slice %arg5[%dma_start3A_15, %dma_start3A_20] : memref<2x800xi32, #tpu.memory_space<vmem>> -> memref<1x800xi32, #tpu.memory_space<vmem>>
    %dma_start3A_22 = tpu.memref_squeeze %dma_start3A_21 : memref<1x800xi32, #tpu.memory_space<vmem>> -> memref<800xi32, #tpu.memory_space<vmem>>
    %dma_start3A_23 = tpu.memref_slice %arg3[%add3A_14] : memref<819200xi32, #tpu.memory_space<hbm>> -> memref<800xi32, #tpu.memory_space<hbm>>
    tpu.enqueue_dma source(%dma_start3A_23 : memref<800xi32, #tpu.memory_space<hbm>>) target(%dma_start3A_22 : memref<800xi32, #tpu.memory_space<vmem>>) target_semaphore(%arg7 : memref<!tpu.dma_semaphore, #tpu.memory_space<semaphore_mem>>)
    %dma_wait3A = arith.constant 0 : i32
    %dma_wait3A_24 = arith.constant 0 : i32
    %dma_wait3A_25 = tpu.memref_slice %arg5[%dma_wait3A, %dma_wait3A_24] : memref<2x800xi32, #tpu.memory_space<vmem>> -> memref<1x800xi32, #tpu.memory_space<vmem>>
    %dma_wait3A_26 = tpu.memref_squeeze %dma_wait3A_25 : memref<1x800xi32, #tpu.memory_space<vmem>> -> memref<800xi32, #tpu.memory_space<vmem>>
    %dma_wait3A_27 = tpu.memref_slice %arg3[%mul3A_2] : memref<819200xi32, #tpu.memory_space<hbm>> -> memref<800xi32, #tpu.memory_space<hbm>>
    %dma_wait3A_28 = arith.constant 0 : i32
    %dma_wait3A_29 = tpu.memref_slice %arg5[%dma_wait3A, %dma_wait3A_28] : memref<2x800xi32, #tpu.memory_space<vmem>> -> memref<1x800xi32, #tpu.memory_space<vmem>>
    %dma_wait3A_30 = tpu.memref_squeeze %dma_wait3A_29 : memref<1x800xi32, #tpu.memory_space<vmem>> -> memref<800xi32, #tpu.memory_space<vmem>>
    %dma_wait3A_31 = tpu.memref_slice %arg3[%mul3A_2] : memref<819200xi32, #tpu.memory_space<hbm>> -> memref<800xi32, #tpu.memory_space<hbm>>
    tpu.wait_dma2 semaphore(%arg7 : memref<!tpu.dma_semaphore, #tpu.memory_space<semaphore_mem>>) src(%dma_wait3A_31 : memref<800xi32, #tpu.memory_space<hbm>>) dst(%dma_wait3A_30 : memref<800xi32, #tpu.memory_space<vmem>>)
    %dma_start3A_32 = arith.constant 0 : i32
    %dma_start3A_33 = arith.constant 0 : i32
    %dma_start3A_34 = arith.constant 0 : i32
    %dma_start3A_35 = arith.constant 0 : i32
    %dma_start3A_36 = tpu.memref_slice %arg6[%dma_start3A_33, %dma_start3A_34, %dma_start3A_35] : memref<2x800x64xf32, #tpu.memory_space<vmem>> -> memref<1x800x64xf32, #tpu.memory_space<vmem>>
    %dma_start3A_37 = tpu.memref_squeeze %dma_start3A_36 : memref<1x800x64xf32, #tpu.memory_space<vmem>> -> memref<800x64xf32, #tpu.memory_space<vmem>>
    %dma_start3A_38 = arith.constant 0 : i32
    %dma_start3A_39 = tpu.memref_slice %arg5[%dma_start3A_32, %dma_start3A_38] : memref<2x800xi32, #tpu.memory_space<vmem>> -> memref<1x800xi32, #tpu.memory_space<vmem>>
    %dma_start3A_40 = tpu.memref_squeeze %dma_start3A_39 : memref<1x800xi32, #tpu.memory_space<vmem>> -> memref<800xi32, #tpu.memory_space<vmem>>
    %dma_start3A_41 = arith.constant 0 : i32
    %dma_start3A_42 = arith.constant 0 : i32
    %dma_start3A_43 = tpu.memref_slice %arg2[%dma_start3A_41, %dma_start3A_42] : memref<1000000x64xf32, #tpu.memory_space<hbm>> -> memref<1000000x64xf32, #tpu.memory_space<hbm>>
    tpu.enqueue_indirect_dma source(%dma_start3A_43 : memref<1000000x64xf32, #tpu.memory_space<hbm>>) target(%dma_start3A_37 : memref<800x64xf32, #tpu.memory_space<vmem>>) offsets(%dma_start3A_40 : memref<800xi32, #tpu.memory_space<vmem>>) semaphore(%arg8 : memref<!tpu.dma_semaphore, #tpu.memory_space<semaphore_mem>>)
    %dma_wait3A_44 = arith.constant 0 : i32
    %dma_wait3A_45 = arith.constant 0 : i32
    %dma_wait3A_46 = arith.constant 0 : i32
    %dma_wait3A_47 = arith.constant 0 : i32
    %dma_wait3A_48 = tpu.memref_slice %arg6[%dma_wait3A_45, %dma_wait3A_46, %dma_wait3A_47] : memref<2x800x64xf32, #tpu.memory_space<vmem>> -> memref<1x800x64xf32, #tpu.memory_space<vmem>>
    %dma_wait3A_49 = tpu.memref_squeeze %dma_wait3A_48 : memref<1x800x64xf32, #tpu.memory_space<vmem>> -> memref<800x64xf32, #tpu.memory_space<vmem>>
    %dma_wait3A_50 = arith.constant 0 : i32
    %dma_wait3A_51 = tpu.memref_slice %arg5[%dma_wait3A_44, %dma_wait3A_50] : memref<2x800xi32, #tpu.memory_space<vmem>> -> memref<1x800xi32, #tpu.memory_space<vmem>>
    %dma_wait3A_52 = tpu.memref_squeeze %dma_wait3A_51 : memref<1x800xi32, #tpu.memory_space<vmem>> -> memref<800xi32, #tpu.memory_space<vmem>>
    %dma_wait3A_53 = arith.constant 0 : i32
    %dma_wait3A_54 = arith.constant 0 : i32
    %dma_wait3A_55 = tpu.memref_slice %arg2[%dma_wait3A_53, %dma_wait3A_54] : memref<1000000x64xf32, #tpu.memory_space<hbm>> -> memref<1000000x64xf32, #tpu.memory_space<hbm>>
    tpu.wait_indirect_dma semaphore(%arg8 : memref<!tpu.dma_semaphore, #tpu.memory_space<semaphore_mem>>) src(%dma_wait3A_55 : memref<1000000x64xf32, #tpu.memory_space<hbm>>) dst(%dma_wait3A_49 : memref<800x64xf32, #tpu.memory_space<vmem>>)
    %add3A_56 = arith.constant 0 : i32
    %add3A_57 = arith.addi %mul3A_2, %add3A_56 : i32
    %dma_start3A_58 = arith.constant 0 : i32
    %dma_start3A_59 = arith.constant 0 : i32
    %dma_start3A_60 = arith.constant 0 : i32
    %dma_start3A_61 = tpu.memref_slice %arg6[%dma_start3A_58, %dma_start3A_59, %dma_start3A_60] : memref<2x800x64xf32, #tpu.memory_space<vmem>> -> memref<1x800x64xf32, #tpu.memory_space<vmem>>
    %dma_start3A_62 = tpu.memref_squeeze %dma_start3A_61 : memref<1x800x64xf32, #tpu.memory_space<vmem>> -> memref<800x64xf32, #tpu.memory_space<vmem>>
    %dma_start3A_63 = arith.constant 0 : i32
    %dma_start3A_64 = tpu.memref_slice %arg4[%add3A_57, %dma_start3A_63] : memref<819200x64xf32, #tpu.memory_space<hbm>> -> memref<800x64xf32, #tpu.memory_space<hbm>>
    %dma_start3A_65 = arith.constant 0 : i32
    %dma_start3A_66 = tpu.memref_slice %arg4[%add3A_57, %dma_start3A_65] : memref<819200x64xf32, #tpu.memory_space<hbm>> -> memref<800x64xf32, #tpu.memory_space<hbm>>
    %dma_start3A_67 = arith.constant 0 : i32
    %dma_start3A_68 = arith.constant 0 : i32
    %dma_start3A_69 = tpu.memref_slice %arg6[%dma_start3A_58, %dma_start3A_67, %dma_start3A_68] : memref<2x800x64xf32, #tpu.memory_space<vmem>> -> memref<1x800x64xf32, #tpu.memory_space<vmem>>
    %dma_start3A_70 = tpu.memref_squeeze %dma_start3A_69 : memref<1x800x64xf32, #tpu.memory_space<vmem>> -> memref<800x64xf32, #tpu.memory_space<vmem>>
    tpu.enqueue_dma source(%dma_start3A_70 : memref<800x64xf32, #tpu.memory_space<vmem>>) target(%dma_start3A_66 : memref<800x64xf32, #tpu.memory_space<hbm>>) target_semaphore(%arg9 : memref<!tpu.dma_semaphore, #tpu.memory_space<semaphore_mem>>)
    %add3A_71 = arith.constant 1600 : i32
    %add3A_72 = arith.addi %mul3A_2, %add3A_71 : i32
    %dma_start3A_73 = arith.constant 0 : i32
    %dma_start3A_74 = arith.constant 0 : i32
    %dma_start3A_75 = tpu.memref_slice %arg5[%dma_start3A_73, %dma_start3A_74] : memref<2x800xi32, #tpu.memory_space<vmem>> -> memref<1x800xi32, #tpu.memory_space<vmem>>
    %dma_start3A_76 = tpu.memref_squeeze %dma_start3A_75 : memref<1x800xi32, #tpu.memory_space<vmem>> -> memref<800xi32, #tpu.memory_space<vmem>>
    %dma_start3A_77 = tpu.memref_slice %arg3[%add3A_72] : memref<819200xi32, #tpu.memory_space<hbm>> -> memref<800xi32, #tpu.memory_space<hbm>>
    %dma_start3A_78 = arith.constant 0 : i32
    %dma_start3A_79 = tpu.memref_slice %arg5[%dma_start3A_73, %dma_start3A_78] : memref<2x800xi32, #tpu.memory_space<vmem>> -> memref<1x800xi32, #tpu.memory_space<vmem>>
    %dma_start3A_80 = tpu.memref_squeeze %dma_start3A_79 : memref<1x800xi32, #tpu.memory_space<vmem>> -> memref<800xi32, #tpu.memory_space<vmem>>
    %dma_start3A_81 = tpu.memref_slice %arg3[%add3A_72] : memref<819200xi32, #tpu.memory_space<hbm>> -> memref<800xi32, #tpu.memory_space<hbm>>
    tpu.enqueue_dma source(%dma_start3A_81 : memref<800xi32, #tpu.memory_space<hbm>>) target(%dma_start3A_80 : memref<800xi32, #tpu.memory_space<vmem>>) target_semaphore(%arg7 : memref<!tpu.dma_semaphore, #tpu.memory_space<semaphore_mem>>)
    %dma_wait3A_82 = arith.constant 1 : i32
    %dma_wait3A_83 = arith.constant 0 : i32
    %dma_wait3A_84 = tpu.memref_slice %arg5[%dma_wait3A_82, %dma_wait3A_83] : memref<2x800xi32, #tpu.memory_space<vmem>> -> memref<1x800xi32, #tpu.memory_space<vmem>>
    %dma_wait3A_85 = tpu.memref_squeeze %dma_wait3A_84 : memref<1x800xi32, #tpu.memory_space<vmem>> -> memref<800xi32, #tpu.memory_space<vmem>>
    %dma_wait3A_86 = tpu.memref_slice %arg3[%mul3A_2] : memref<819200xi32, #tpu.memory_space<hbm>> -> memref<800xi32, #tpu.memory_space<hbm>>
    %dma_wait3A_87 = arith.constant 0 : i32
    %dma_wait3A_88 = tpu.memref_slice %arg5[%dma_wait3A_82, %dma_wait3A_87] : memref<2x800xi32, #tpu.memory_space<vmem>> -> memref<1x800xi32, #tpu.memory_space<vmem>>
    %dma_wait3A_89 = tpu.memref_squeeze %dma_wait3A_88 : memref<1x800xi32, #tpu.memory_space<vmem>> -> memref<800xi32, #tpu.memory_space<vmem>>
    %dma_wait3A_90 = tpu.memref_slice %arg3[%mul3A_2] : memref<819200xi32, #tpu.memory_space<hbm>> -> memref<800xi32, #tpu.memory_space<hbm>>
    tpu.wait_dma2 semaphore(%arg7 : memref<!tpu.dma_semaphore, #tpu.memory_space<semaphore_mem>>) src(%dma_wait3A_90 : memref<800xi32, #tpu.memory_space<hbm>>) dst(%dma_wait3A_89 : memref<800xi32, #tpu.memory_space<vmem>>)
    %dma_start3A_91 = arith.constant 1 : i32
    %dma_start3A_92 = arith.constant 1 : i32
    %dma_start3A_93 = arith.constant 0 : i32
    %dma_start3A_94 = arith.constant 0 : i32
    %dma_start3A_95 = tpu.memref_slice %arg6[%dma_start3A_92, %dma_start3A_93, %dma_start3A_94] : memref<2x800x64xf32, #tpu.memory_space<vmem>> -> memref<1x800x64xf32, #tpu.memory_space<vmem>>
    %dma_start3A_96 = tpu.memref_squeeze %dma_start3A_95 : memref<1x800x64xf32, #tpu.memory_space<vmem>> -> memref<800x64xf32, #tpu.memory_space<vmem>>
    %dma_start3A_97 = arith.constant 0 : i32
    %dma_start3A_98 = tpu.memref_slice %arg5[%dma_start3A_91, %dma_start3A_97] : memref<2x800xi32, #tpu.memory_space<vmem>> -> memref<1x800xi32, #tpu.memory_space<vmem>>
    %dma_start3A_99 = tpu.memref_squeeze %dma_start3A_98 : memref<1x800xi32, #tpu.memory_space<vmem>> -> memref<800xi32, #tpu.memory_space<vmem>>
    %dma_start3A_100 = arith.constant 0 : i32
    %dma_start3A_101 = arith.constant 0 : i32
    %dma_start3A_102 = tpu.memref_slice %arg2[%dma_start3A_100, %dma_start3A_101] : memref<1000000x64xf32, #tpu.memory_space<hbm>> -> memref<1000000x64xf32, #tpu.memory_space<hbm>>
    tpu.enqueue_indirect_dma source(%dma_start3A_102 : memref<1000000x64xf32, #tpu.memory_space<hbm>>) target(%dma_start3A_96 : memref<800x64xf32, #tpu.memory_space<vmem>>) offsets(%dma_start3A_99 : memref<800xi32, #tpu.memory_space<vmem>>) semaphore(%arg8 : memref<!tpu.dma_semaphore, #tpu.memory_space<semaphore_mem>>)
    %dma_wait3A_103 = arith.constant 1 : i32
    %dma_wait3A_104 = arith.constant 1 : i32
    %dma_wait3A_105 = arith.constant 0 : i32
    %dma_wait3A_106 = arith.constant 0 : i32
    %dma_wait3A_107 = tpu.memref_slice %arg6[%dma_wait3A_104, %dma_wait3A_105, %dma_wait3A_106] : memref<2x800x64xf32, #tpu.memory_space<vmem>> -> memref<1x800x64xf32, #tpu.memory_space<vmem>>
    %dma_wait3A_108 = tpu.memref_squeeze %dma_wait3A_107 : memref<1x800x64xf32, #tpu.memory_space<vmem>> -> memref<800x64xf32, #tpu.memory_space<vmem>>
    %dma_wait3A_109 = arith.constant 0 : i32
    %dma_wait3A_110 = tpu.memref_slice %arg5[%dma_wait3A_103, %dma_wait3A_109] : memref<2x800xi32, #tpu.memory_space<vmem>> -> memref<1x800xi32, #tpu.memory_space<vmem>>
    %dma_wait3A_111 = tpu.memref_squeeze %dma_wait3A_110 : memref<1x800xi32, #tpu.memory_space<vmem>> -> memref<800xi32, #tpu.memory_space<vmem>>
    %dma_wait3A_112 = arith.constant 0 : i32
    %dma_wait3A_113 = arith.constant 0 : i32
    %dma_wait3A_114 = tpu.memref_slice %arg2[%dma_wait3A_112, %dma_wait3A_113] : memref<1000000x64xf32, #tpu.memory_space<hbm>> -> memref<1000000x64xf32, #tpu.memory_space<hbm>>
    tpu.wait_indirect_dma semaphore(%arg8 : memref<!tpu.dma_semaphore, #tpu.memory_space<semaphore_mem>>) src(%dma_wait3A_114 : memref<1000000x64xf32, #tpu.memory_space<hbm>>) dst(%dma_wait3A_108 : memref<800x64xf32, #tpu.memory_space<vmem>>)
    %add3A_115 = arith.constant 800 : i32
    %add3A_116 = arith.addi %mul3A_2, %add3A_115 : i32
    %dma_start3A_117 = arith.constant 1 : i32
    %dma_start3A_118 = arith.constant 0 : i32
    %dma_start3A_119 = arith.constant 0 : i32
    %dma_start3A_120 = tpu.memref_slice %arg6[%dma_start3A_117, %dma_start3A_118, %dma_start3A_119] : memref<2x800x64xf32, #tpu.memory_space<vmem>> -> memref<1x800x64xf32, #tpu.memory_space<vmem>>
    %dma_start3A_121 = tpu.memref_squeeze %dma_start3A_120 : memref<1x800x64xf32, #tpu.memory_space<vmem>> -> memref<800x64xf32, #tpu.memory_space<vmem>>
    %dma_start3A_122 = arith.constant 0 : i32
    %dma_start3A_123 = tpu.memref_slice %arg4[%add3A_116, %dma_start3A_122] : memref<819200x64xf32, #tpu.memory_space<hbm>> -> memref<800x64xf32, #tpu.memory_space<hbm>>
    %dma_start3A_124 = arith.constant 0 : i32
    %dma_start3A_125 = tpu.memref_slice %arg4[%add3A_116, %dma_start3A_124] : memref<819200x64xf32, #tpu.memory_space<hbm>> -> memref<800x64xf32, #tpu.memory_space<hbm>>
    %dma_start3A_126 = arith.constant 0 : i32
    %dma_start3A_127 = arith.constant 0 : i32
    %dma_start3A_128 = tpu.memref_slice %arg6[%dma_start3A_117, %dma_start3A_126, %dma_start3A_127] : memref<2x800x64xf32, #tpu.memory_space<vmem>> -> memref<1x800x64xf32, #tpu.memory_space<vmem>>
    %dma_start3A_129 = tpu.memref_squeeze %dma_start3A_128 : memref<1x800x64xf32, #tpu.memory_space<vmem>> -> memref<800x64xf32, #tpu.memory_space<vmem>>
    tpu.enqueue_dma source(%dma_start3A_129 : memref<800x64xf32, #tpu.memory_space<vmem>>) target(%dma_start3A_125 : memref<800x64xf32, #tpu.memory_space<hbm>>) target_semaphore(%arg9 : memref<!tpu.dma_semaphore, #tpu.memory_space<semaphore_mem>>)
    %add3A_130 = arith.constant 2400 : i32
    %add3A_131 = arith.addi %mul3A_2, %add3A_130 : i32
    %dma_start3A_132 = arith.constant 1 : i32
    %dma_start3A_133 = arith.constant 0 : i32
    %dma_start3A_134 = tpu.memref_slice %arg5[%dma_start3A_132, %dma_start3A_133] : memref<2x800xi32, #tpu.memory_space<vmem>> -> memref<1x800xi32, #tpu.memory_space<vmem>>
    %dma_start3A_135 = tpu.memref_squeeze %dma_start3A_134 : memref<1x800xi32, #tpu.memory_space<vmem>> -> memref<800xi32, #tpu.memory_space<vmem>>
    %dma_start3A_136 = tpu.memref_slice %arg3[%add3A_131] : memref<819200xi32, #tpu.memory_space<hbm>> -> memref<800xi32, #tpu.memory_space<hbm>>
    %dma_start3A_137 = arith.constant 0 : i32
    %dma_start3A_138 = tpu.memref_slice %arg5[%dma_start3A_132, %dma_start3A_137] : memref<2x800xi32, #tpu.memory_space<vmem>> -> memref<1x800xi32, #tpu.memory_space<vmem>>
    %dma_start3A_139 = tpu.memref_squeeze %dma_start3A_138 : memref<1x800xi32, #tpu.memory_space<vmem>> -> memref<800xi32, #tpu.memory_space<vmem>>
    %dma_start3A_140 = tpu.memref_slice %arg3[%add3A_131] : memref<819200xi32, #tpu.memory_space<hbm>> -> memref<800xi32, #tpu.memory_space<hbm>>
    tpu.enqueue_dma source(%dma_start3A_140 : memref<800xi32, #tpu.memory_space<hbm>>) target(%dma_start3A_139 : memref<800xi32, #tpu.memory_space<vmem>>) target_semaphore(%arg7 : memref<!tpu.dma_semaphore, #tpu.memory_space<semaphore_mem>>)
    %scan3A = arith.constant 0 : i32
    %scan3A_141 = arith.constant 1 : i32
    %scan3A_142 = arith.constant 14 : i32
    %scan3A_143 = arith.addi %scan3A_141, %scan3A_142 : i32
    %scan3A_144 = arith.constant 1 : i32
    scf.for %scan3A_294 = %scan3A_141 to %scan3A_143 step %scan3A_144  : i32 {
      %mul3A_295 = arith.constant 2 : i32
      %mul3A_296 = arith.muli %scan3A_294, %mul3A_295 : i32
      %add3A_297 = arith.constant 0 : i32
      %add3A_298 = arith.addi %mul3A_296, %add3A_297 : i32
      %dma_wait3A_299 = arith.constant 0 : i32
      %dma_wait3A_300 = arith.constant 0 : i32
      %dma_wait3A_301 = arith.constant 0 : i32
      %dma_wait3A_302 = tpu.memref_slice %arg6[%dma_wait3A_299, %dma_wait3A_300, %dma_wait3A_301] : memref<2x800x64xf32, #tpu.memory_space<vmem>> -> memref<1x800x64xf32, #tpu.memory_space<vmem>>
      %dma_wait3A_303 = tpu.memref_squeeze %dma_wait3A_302 : memref<1x800x64xf32, #tpu.memory_space<vmem>> -> memref<800x64xf32, #tpu.memory_space<vmem>>
      %dma_wait3A_304 = arith.constant 0 : i32
      %dma_wait3A_305 = tpu.memref_slice %arg4[%mul3A_2, %dma_wait3A_304] : memref<819200x64xf32, #tpu.memory_space<hbm>> -> memref<800x64xf32, #tpu.memory_space<hbm>>
      %dma_wait3A_306 = arith.constant 0 : i32
      %dma_wait3A_307 = tpu.memref_slice %arg4[%mul3A_2, %dma_wait3A_306] : memref<819200x64xf32, #tpu.memory_space<hbm>> -> memref<800x64xf32, #tpu.memory_space<hbm>>
      %dma_wait3A_308 = arith.constant 0 : i32
      %dma_wait3A_309 = arith.constant 0 : i32
      %dma_wait3A_310 = tpu.memref_slice %arg6[%dma_wait3A_299, %dma_wait3A_308, %dma_wait3A_309] : memref<2x800x64xf32, #tpu.memory_space<vmem>> -> memref<1x800x64xf32, #tpu.memory_space<vmem>>
      %dma_wait3A_311 = tpu.memref_squeeze %dma_wait3A_310 : memref<1x800x64xf32, #tpu.memory_space<vmem>> -> memref<800x64xf32, #tpu.memory_space<vmem>>
      tpu.wait_dma2 semaphore(%arg9 : memref<!tpu.dma_semaphore, #tpu.memory_space<semaphore_mem>>) src(%dma_wait3A_311 : memref<800x64xf32, #tpu.memory_space<vmem>>) dst(%dma_wait3A_307 : memref<800x64xf32, #tpu.memory_space<hbm>>)
      %dma_wait3A_312 = arith.constant 0 : i32
      %dma_wait3A_313 = arith.constant 0 : i32
      %dma_wait3A_314 = tpu.memref_slice %arg5[%dma_wait3A_312, %dma_wait3A_313] : memref<2x800xi32, #tpu.memory_space<vmem>> -> memref<1x800xi32, #tpu.memory_space<vmem>>
      %dma_wait3A_315 = tpu.memref_squeeze %dma_wait3A_314 : memref<1x800xi32, #tpu.memory_space<vmem>> -> memref<800xi32, #tpu.memory_space<vmem>>
      %dma_wait3A_316 = tpu.memref_slice %arg3[%mul3A_2] : memref<819200xi32, #tpu.memory_space<hbm>> -> memref<800xi32, #tpu.memory_space<hbm>>
      %dma_wait3A_317 = arith.constant 0 : i32
      %dma_wait3A_318 = tpu.memref_slice %arg5[%dma_wait3A_312, %dma_wait3A_317] : memref<2x800xi32, #tpu.memory_space<vmem>> -> memref<1x800xi32, #tpu.memory_space<vmem>>
      %dma_wait3A_319 = tpu.memref_squeeze %dma_wait3A_318 : memref<1x800xi32, #tpu.memory_space<vmem>> -> memref<800xi32, #tpu.memory_space<vmem>>
      %dma_wait3A_320 = tpu.memref_slice %arg3[%mul3A_2] : memref<819200xi32, #tpu.memory_space<hbm>> -> memref<800xi32, #tpu.memory_space<hbm>>
      tpu.wait_dma2 semaphore(%arg7 : memref<!tpu.dma_semaphore, #tpu.memory_space<semaphore_mem>>) src(%dma_wait3A_320 : memref<800xi32, #tpu.memory_space<hbm>>) dst(%dma_wait3A_319 : memref<800xi32, #tpu.memory_space<vmem>>)
      %dma_start3A_321 = arith.constant 0 : i32
      %dma_start3A_322 = arith.constant 0 : i32
      %dma_start3A_323 = arith.constant 0 : i32
      %dma_start3A_324 = arith.constant 0 : i32
      %dma_start3A_325 = tpu.memref_slice %arg6[%dma_start3A_322, %dma_start3A_323, %dma_start3A_324] : memref<2x800x64xf32, #tpu.memory_space<vmem>> -> memref<1x800x64xf32, #tpu.memory_space<vmem>>
      %dma_start3A_326 = tpu.memref_squeeze %dma_start3A_325 : memref<1x800x64xf32, #tpu.memory_space<vmem>> -> memref<800x64xf32, #tpu.memory_space<vmem>>
      %dma_start3A_327 = arith.constant 0 : i32
      %dma_start3A_328 = tpu.memref_slice %arg5[%dma_start3A_321, %dma_start3A_327] : memref<2x800xi32, #tpu.memory_space<vmem>> -> memref<1x800xi32, #tpu.memory_space<vmem>>
      %dma_start3A_329 = tpu.memref_squeeze %dma_start3A_328 : memref<1x800xi32, #tpu.memory_space<vmem>> -> memref<800xi32, #tpu.memory_space<vmem>>
      %dma_start3A_330 = arith.constant 0 : i32
      %dma_start3A_331 = arith.constant 0 : i32
      %dma_start3A_332 = tpu.memref_slice %arg2[%dma_start3A_330, %dma_start3A_331] : memref<1000000x64xf32, #tpu.memory_space<hbm>> -> memref<1000000x64xf32, #tpu.memory_space<hbm>>
      tpu.enqueue_indirect_dma source(%dma_start3A_332 : memref<1000000x64xf32, #tpu.memory_space<hbm>>) target(%dma_start3A_326 : memref<800x64xf32, #tpu.memory_space<vmem>>) offsets(%dma_start3A_329 : memref<800xi32, #tpu.memory_space<vmem>>) semaphore(%arg8 : memref<!tpu.dma_semaphore, #tpu.memory_space<semaphore_mem>>)
      %dma_wait3A_333 = arith.constant 0 : i32
      %dma_wait3A_334 = arith.constant 0 : i32
      %dma_wait3A_335 = arith.constant 0 : i32
      %dma_wait3A_336 = arith.constant 0 : i32
      %dma_wait3A_337 = tpu.memref_slice %arg6[%dma_wait3A_334, %dma_wait3A_335, %dma_wait3A_336] : memref<2x800x64xf32, #tpu.memory_space<vmem>> -> memref<1x800x64xf32, #tpu.memory_space<vmem>>
      %dma_wait3A_338 = tpu.memref_squeeze %dma_wait3A_337 : memref<1x800x64xf32, #tpu.memory_space<vmem>> -> memref<800x64xf32, #tpu.memory_space<vmem>>
      %dma_wait3A_339 = arith.constant 0 : i32
      %dma_wait3A_340 = tpu.memref_slice %arg5[%dma_wait3A_333, %dma_wait3A_339] : memref<2x800xi32, #tpu.memory_space<vmem>> -> memref<1x800xi32, #tpu.memory_space<vmem>>
      %dma_wait3A_341 = tpu.memref_squeeze %dma_wait3A_340 : memref<1x800xi32, #tpu.memory_space<vmem>> -> memref<800xi32, #tpu.memory_space<vmem>>
      %dma_wait3A_342 = arith.constant 0 : i32
      %dma_wait3A_343 = arith.constant 0 : i32
      %dma_wait3A_344 = tpu.memref_slice %arg2[%dma_wait3A_342, %dma_wait3A_343] : memref<1000000x64xf32, #tpu.memory_space<hbm>> -> memref<1000000x64xf32, #tpu.memory_space<hbm>>
      tpu.wait_indirect_dma semaphore(%arg8 : memref<!tpu.dma_semaphore, #tpu.memory_space<semaphore_mem>>) src(%dma_wait3A_344 : memref<1000000x64xf32, #tpu.memory_space<hbm>>) dst(%dma_wait3A_338 : memref<800x64xf32, #tpu.memory_space<vmem>>)
      %mul3A_345 = arith.constant 800 : i32
      %mul3A_346 = arith.muli %add3A_298, %mul3A_345 : i32
      %add3A_347 = arith.addi %mul3A_2, %mul3A_346 : i32
      %dma_start3A_348 = arith.constant 0 : i32
      %dma_start3A_349 = arith.constant 0 : i32
      %dma_start3A_350 = arith.constant 0 : i32
      %dma_start3A_351 = tpu.memref_slice %arg6[%dma_start3A_348, %dma_start3A_349, %dma_start3A_350] : memref<2x800x64xf32, #tpu.memory_space<vmem>> -> memref<1x800x64xf32, #tpu.memory_space<vmem>>
      %dma_start3A_352 = tpu.memref_squeeze %dma_start3A_351 : memref<1x800x64xf32, #tpu.memory_space<vmem>> -> memref<800x64xf32, #tpu.memory_space<vmem>>
      %dma_start3A_353 = arith.constant 0 : i32
      %dma_start3A_354 = tpu.memref_slice %arg4[%add3A_347, %dma_start3A_353] : memref<819200x64xf32, #tpu.memory_space<hbm>> -> memref<800x64xf32, #tpu.memory_space<hbm>>
      %dma_start3A_355 = arith.constant 0 : i32
      %dma_start3A_356 = tpu.memref_slice %arg4[%add3A_347, %dma_start3A_355] : memref<819200x64xf32, #tpu.memory_space<hbm>> -> memref<800x64xf32, #tpu.memory_space<hbm>>
      %dma_start3A_357 = arith.constant 0 : i32
      %dma_start3A_358 = arith.constant 0 : i32
      %dma_start3A_359 = tpu.memref_slice %arg6[%dma_start3A_348, %dma_start3A_357, %dma_start3A_358] : memref<2x800x64xf32, #tpu.memory_space<vmem>> -> memref<1x800x64xf32, #tpu.memory_space<vmem>>
      %dma_start3A_360 = tpu.memref_squeeze %dma_start3A_359 : memref<1x800x64xf32, #tpu.memory_space<vmem>> -> memref<800x64xf32, #tpu.memory_space<vmem>>
      tpu.enqueue_dma source(%dma_start3A_360 : memref<800x64xf32, #tpu.memory_space<vmem>>) target(%dma_start3A_356 : memref<800x64xf32, #tpu.memory_space<hbm>>) target_semaphore(%arg9 : memref<!tpu.dma_semaphore, #tpu.memory_space<semaphore_mem>>)
      %add3A_361 = arith.constant 2 : i32
      %add3A_362 = arith.addi %add3A_298, %add3A_361 : i32
      %mul3A_363 = arith.constant 800 : i32
      %mul3A_364 = arith.muli %add3A_362, %mul3A_363 : i32
      %add3A_365 = arith.addi %mul3A_2, %mul3A_364 : i32
      %dma_start3A_366 = arith.constant 0 : i32
      %dma_start3A_367 = arith.constant 0 : i32
      %dma_start3A_368 = tpu.memref_slice %arg5[%dma_start3A_366, %dma_start3A_367] : memref<2x800xi32, #tpu.memory_space<vmem>> -> memref<1x800xi32, #tpu.memory_space<vmem>>
      %dma_start3A_369 = tpu.memref_squeeze %dma_start3A_368 : memref<1x800xi32, #tpu.memory_space<vmem>> -> memref<800xi32, #tpu.memory_space<vmem>>
      %dma_start3A_370 = tpu.memref_slice %arg3[%add3A_365] : memref<819200xi32, #tpu.memory_space<hbm>> -> memref<800xi32, #tpu.memory_space<hbm>>
      %dma_start3A_371 = arith.constant 0 : i32
      %dma_start3A_372 = tpu.memref_slice %arg5[%dma_start3A_366, %dma_start3A_371] : memref<2x800xi32, #tpu.memory_space<vmem>> -> memref<1x800xi32, #tpu.memory_space<vmem>>
      %dma_start3A_373 = tpu.memref_squeeze %dma_start3A_372 : memref<1x800xi32, #tpu.memory_space<vmem>> -> memref<800xi32, #tpu.memory_space<vmem>>
      %dma_start3A_374 = tpu.memref_slice %arg3[%add3A_365] : memref<819200xi32, #tpu.memory_space<hbm>> -> memref<800xi32, #tpu.memory_space<hbm>>
      tpu.enqueue_dma source(%dma_start3A_374 : memref<800xi32, #tpu.memory_space<hbm>>) target(%dma_start3A_373 : memref<800xi32, #tpu.memory_space<vmem>>) target_semaphore(%arg7 : memref<!tpu.dma_semaphore, #tpu.memory_space<semaphore_mem>>)
      %mul3A_375 = arith.constant 2 : i32
      %mul3A_376 = arith.muli %scan3A_294, %mul3A_375 : i32
      %add3A_377 = arith.constant 1 : i32
      %add3A_378 = arith.addi %mul3A_376, %add3A_377 : i32
      %dma_wait3A_379 = arith.constant 1 : i32
      %dma_wait3A_380 = arith.constant 0 : i32
      %dma_wait3A_381 = arith.constant 0 : i32
      %dma_wait3A_382 = tpu.memref_slice %arg6[%dma_wait3A_379, %dma_wait3A_380, %dma_wait3A_381] : memref<2x800x64xf32, #tpu.memory_space<vmem>> -> memref<1x800x64xf32, #tpu.memory_space<vmem>>
      %dma_wait3A_383 = tpu.memref_squeeze %dma_wait3A_382 : memref<1x800x64xf32, #tpu.memory_space<vmem>> -> memref<800x64xf32, #tpu.memory_space<vmem>>
      %dma_wait3A_384 = arith.constant 0 : i32
      %dma_wait3A_385 = tpu.memref_slice %arg4[%mul3A_2, %dma_wait3A_384] : memref<819200x64xf32, #tpu.memory_space<hbm>> -> memref<800x64xf32, #tpu.memory_space<hbm>>
      %dma_wait3A_386 = arith.constant 0 : i32
      %dma_wait3A_387 = tpu.memref_slice %arg4[%mul3A_2, %dma_wait3A_386] : memref<819200x64xf32, #tpu.memory_space<hbm>> -> memref<800x64xf32, #tpu.memory_space<hbm>>
      %dma_wait3A_388 = arith.constant 0 : i32
      %dma_wait3A_389 = arith.constant 0 : i32
      %dma_wait3A_390 = tpu.memref_slice %arg6[%dma_wait3A_379, %dma_wait3A_388, %dma_wait3A_389] : memref<2x800x64xf32, #tpu.memory_space<vmem>> -> memref<1x800x64xf32, #tpu.memory_space<vmem>>
      %dma_wait3A_391 = tpu.memref_squeeze %dma_wait3A_390 : memref<1x800x64xf32, #tpu.memory_space<vmem>> -> memref<800x64xf32, #tpu.memory_space<vmem>>
      tpu.wait_dma2 semaphore(%arg9 : memref<!tpu.dma_semaphore, #tpu.memory_space<semaphore_mem>>) src(%dma_wait3A_391 : memref<800x64xf32, #tpu.memory_space<vmem>>) dst(%dma_wait3A_387 : memref<800x64xf32, #tpu.memory_space<hbm>>)
      %dma_wait3A_392 = arith.constant 1 : i32
      %dma_wait3A_393 = arith.constant 0 : i32
      %dma_wait3A_394 = tpu.memref_slice %arg5[%dma_wait3A_392, %dma_wait3A_393] : memref<2x800xi32, #tpu.memory_space<vmem>> -> memref<1x800xi32, #tpu.memory_space<vmem>>
      %dma_wait3A_395 = tpu.memref_squeeze %dma_wait3A_394 : memref<1x800xi32, #tpu.memory_space<vmem>> -> memref<800xi32, #tpu.memory_space<vmem>>
      %dma_wait3A_396 = tpu.memref_slice %arg3[%mul3A_2] : memref<819200xi32, #tpu.memory_space<hbm>> -> memref<800xi32, #tpu.memory_space<hbm>>
      %dma_wait3A_397 = arith.constant 0 : i32
      %dma_wait3A_398 = tpu.memref_slice %arg5[%dma_wait3A_392, %dma_wait3A_397] : memref<2x800xi32, #tpu.memory_space<vmem>> -> memref<1x800xi32, #tpu.memory_space<vmem>>
      %dma_wait3A_399 = tpu.memref_squeeze %dma_wait3A_398 : memref<1x800xi32, #tpu.memory_space<vmem>> -> memref<800xi32, #tpu.memory_space<vmem>>
      %dma_wait3A_400 = tpu.memref_slice %arg3[%mul3A_2] : memref<819200xi32, #tpu.memory_space<hbm>> -> memref<800xi32, #tpu.memory_space<hbm>>
      tpu.wait_dma2 semaphore(%arg7 : memref<!tpu.dma_semaphore, #tpu.memory_space<semaphore_mem>>) src(%dma_wait3A_400 : memref<800xi32, #tpu.memory_space<hbm>>) dst(%dma_wait3A_399 : memref<800xi32, #tpu.memory_space<vmem>>)
      %dma_start3A_401 = arith.constant 1 : i32
      %dma_start3A_402 = arith.constant 1 : i32
      %dma_start3A_403 = arith.constant 0 : i32
      %dma_start3A_404 = arith.constant 0 : i32
      %dma_start3A_405 = tpu.memref_slice %arg6[%dma_start3A_402, %dma_start3A_403, %dma_start3A_404] : memref<2x800x64xf32, #tpu.memory_space<vmem>> -> memref<1x800x64xf32, #tpu.memory_space<vmem>>
      %dma_start3A_406 = tpu.memref_squeeze %dma_start3A_405 : memref<1x800x64xf32, #tpu.memory_space<vmem>> -> memref<800x64xf32, #tpu.memory_space<vmem>>
      %dma_start3A_407 = arith.constant 0 : i32
      %dma_start3A_408 = tpu.memref_slice %arg5[%dma_start3A_401, %dma_start3A_407] : memref<2x800xi32, #tpu.memory_space<vmem>> -> memref<1x800xi32, #tpu.memory_space<vmem>>
      %dma_start3A_409 = tpu.memref_squeeze %dma_start3A_408 : memref<1x800xi32, #tpu.memory_space<vmem>> -> memref<800xi32, #tpu.memory_space<vmem>>
      %dma_start3A_410 = arith.constant 0 : i32
      %dma_start3A_411 = arith.constant 0 : i32
      %dma_start3A_412 = tpu.memref_slice %arg2[%dma_start3A_410, %dma_start3A_411] : memref<1000000x64xf32, #tpu.memory_space<hbm>> -> memref<1000000x64xf32, #tpu.memory_space<hbm>>
      tpu.enqueue_indirect_dma source(%dma_start3A_412 : memref<1000000x64xf32, #tpu.memory_space<hbm>>) target(%dma_start3A_406 : memref<800x64xf32, #tpu.memory_space<vmem>>) offsets(%dma_start3A_409 : memref<800xi32, #tpu.memory_space<vmem>>) semaphore(%arg8 : memref<!tpu.dma_semaphore, #tpu.memory_space<semaphore_mem>>)
      %dma_wait3A_413 = arith.constant 1 : i32
      %dma_wait3A_414 = arith.constant 1 : i32
      %dma_wait3A_415 = arith.constant 0 : i32
      %dma_wait3A_416 = arith.constant 0 : i32
      %dma_wait3A_417 = tpu.memref_slice %arg6[%dma_wait3A_414, %dma_wait3A_415, %dma_wait3A_416] : memref<2x800x64xf32, #tpu.memory_space<vmem>> -> memref<1x800x64xf32, #tpu.memory_space<vmem>>
      %dma_wait3A_418 = tpu.memref_squeeze %dma_wait3A_417 : memref<1x800x64xf32, #tpu.memory_space<vmem>> -> memref<800x64xf32, #tpu.memory_space<vmem>>
      %dma_wait3A_419 = arith.constant 0 : i32
      %dma_wait3A_420 = tpu.memref_slice %arg5[%dma_wait3A_413, %dma_wait3A_419] : memref<2x800xi32, #tpu.memory_space<vmem>> -> memref<1x800xi32, #tpu.memory_space<vmem>>
      %dma_wait3A_421 = tpu.memref_squeeze %dma_wait3A_420 : memref<1x800xi32, #tpu.memory_space<vmem>> -> memref<800xi32, #tpu.memory_space<vmem>>
      %dma_wait3A_422 = arith.constant 0 : i32
      %dma_wait3A_423 = arith.constant 0 : i32
      %dma_wait3A_424 = tpu.memref_slice %arg2[%dma_wait3A_422, %dma_wait3A_423] : memref<1000000x64xf32, #tpu.memory_space<hbm>> -> memref<1000000x64xf32, #tpu.memory_space<hbm>>
      tpu.wait_indirect_dma semaphore(%arg8 : memref<!tpu.dma_semaphore, #tpu.memory_space<semaphore_mem>>) src(%dma_wait3A_424 : memref<1000000x64xf32, #tpu.memory_space<hbm>>) dst(%dma_wait3A_418 : memref<800x64xf32, #tpu.memory_space<vmem>>)
      %mul3A_425 = arith.constant 800 : i32
      %mul3A_426 = arith.muli %add3A_378, %mul3A_425 : i32
      %add3A_427 = arith.addi %mul3A_2, %mul3A_426 : i32
      %dma_start3A_428 = arith.constant 1 : i32
      %dma_start3A_429 = arith.constant 0 : i32
      %dma_start3A_430 = arith.constant 0 : i32
      %dma_start3A_431 = tpu.memref_slice %arg6[%dma_start3A_428, %dma_start3A_429, %dma_start3A_430] : memref<2x800x64xf32, #tpu.memory_space<vmem>> -> memref<1x800x64xf32, #tpu.memory_space<vmem>>
      %dma_start3A_432 = tpu.memref_squeeze %dma_start3A_431 : memref<1x800x64xf32, #tpu.memory_space<vmem>> -> memref<800x64xf32, #tpu.memory_space<vmem>>
      %dma_start3A_433 = arith.constant 0 : i32
      %dma_start3A_434 = tpu.memref_slice %arg4[%add3A_427, %dma_start3A_433] : memref<819200x64xf32, #tpu.memory_space<hbm>> -> memref<800x64xf32, #tpu.memory_space<hbm>>
      %dma_start3A_435 = arith.constant 0 : i32
      %dma_start3A_436 = tpu.memref_slice %arg4[%add3A_427, %dma_start3A_435] : memref<819200x64xf32, #tpu.memory_space<hbm>> -> memref<800x64xf32, #tpu.memory_space<hbm>>
      %dma_start3A_437 = arith.constant 0 : i32
      %dma_start3A_438 = arith.constant 0 : i32
      %dma_start3A_439 = tpu.memref_slice %arg6[%dma_start3A_428, %dma_start3A_437, %dma_start3A_438] : memref<2x800x64xf32, #tpu.memory_space<vmem>> -> memref<1x800x64xf32, #tpu.memory_space<vmem>>
      %dma_start3A_440 = tpu.memref_squeeze %dma_start3A_439 : memref<1x800x64xf32, #tpu.memory_space<vmem>> -> memref<800x64xf32, #tpu.memory_space<vmem>>
      tpu.enqueue_dma source(%dma_start3A_440 : memref<800x64xf32, #tpu.memory_space<vmem>>) target(%dma_start3A_436 : memref<800x64xf32, #tpu.memory_space<hbm>>) target_semaphore(%arg9 : memref<!tpu.dma_semaphore, #tpu.memory_space<semaphore_mem>>)
      %add3A_441 = arith.constant 2 : i32
      %add3A_442 = arith.addi %add3A_378, %add3A_441 : i32
      %mul3A_443 = arith.constant 800 : i32
      %mul3A_444 = arith.muli %add3A_442, %mul3A_443 : i32
      %add3A_445 = arith.addi %mul3A_2, %mul3A_444 : i32
      %dma_start3A_446 = arith.constant 1 : i32
      %dma_start3A_447 = arith.constant 0 : i32
      %dma_start3A_448 = tpu.memref_slice %arg5[%dma_start3A_446, %dma_start3A_447] : memref<2x800xi32, #tpu.memory_space<vmem>> -> memref<1x800xi32, #tpu.memory_space<vmem>>
      %dma_start3A_449 = tpu.memref_squeeze %dma_start3A_448 : memref<1x800xi32, #tpu.memory_space<vmem>> -> memref<800xi32, #tpu.memory_space<vmem>>
      %dma_start3A_450 = tpu.memref_slice %arg3[%add3A_445] : memref<819200xi32, #tpu.memory_space<hbm>> -> memref<800xi32, #tpu.memory_space<hbm>>
      %dma_start3A_451 = arith.constant 0 : i32
      %dma_start3A_452 = tpu.memref_slice %arg5[%dma_start3A_446, %dma_start3A_451] : memref<2x800xi32, #tpu.memory_space<vmem>> -> memref<1x800xi32, #tpu.memory_space<vmem>>
      %dma_start3A_453 = tpu.memref_squeeze %dma_start3A_452 : memref<1x800xi32, #tpu.memory_space<vmem>> -> memref<800xi32, #tpu.memory_space<vmem>>
      %dma_start3A_454 = tpu.memref_slice %arg3[%add3A_445] : memref<819200xi32, #tpu.memory_space<hbm>> -> memref<800xi32, #tpu.memory_space<hbm>>
      tpu.enqueue_dma source(%dma_start3A_454 : memref<800xi32, #tpu.memory_space<hbm>>) target(%dma_start3A_453 : memref<800xi32, #tpu.memory_space<vmem>>) target_semaphore(%arg7 : memref<!tpu.dma_semaphore, #tpu.memory_space<semaphore_mem>>)
    }
    %scan3A_145 = arith.constant 14 : i32
    %dma_wait3A_146 = arith.constant 0 : i32
    %dma_wait3A_147 = arith.constant 0 : i32
    %dma_wait3A_148 = arith.constant 0 : i32
    %dma_wait3A_149 = tpu.memref_slice %arg6[%dma_wait3A_146, %dma_wait3A_147, %dma_wait3A_148] : memref<2x800x64xf32, #tpu.memory_space<vmem>> -> memref<1x800x64xf32, #tpu.memory_space<vmem>>
    %dma_wait3A_150 = tpu.memref_squeeze %dma_wait3A_149 : memref<1x800x64xf32, #tpu.memory_space<vmem>> -> memref<800x64xf32, #tpu.memory_space<vmem>>
    %dma_wait3A_151 = arith.constant 0 : i32
    %dma_wait3A_152 = tpu.memref_slice %arg4[%mul3A_2, %dma_wait3A_151] : memref<819200x64xf32, #tpu.memory_space<hbm>> -> memref<800x64xf32, #tpu.memory_space<hbm>>
    %dma_wait3A_153 = arith.constant 0 : i32
    %dma_wait3A_154 = tpu.memref_slice %arg4[%mul3A_2, %dma_wait3A_153] : memref<819200x64xf32, #tpu.memory_space<hbm>> -> memref<800x64xf32, #tpu.memory_space<hbm>>
    %dma_wait3A_155 = arith.constant 0 : i32
    %dma_wait3A_156 = arith.constant 0 : i32
    %dma_wait3A_157 = tpu.memref_slice %arg6[%dma_wait3A_146, %dma_wait3A_155, %dma_wait3A_156] : memref<2x800x64xf32, #tpu.memory_space<vmem>> -> memref<1x800x64xf32, #tpu.memory_space<vmem>>
    %dma_wait3A_158 = tpu.memref_squeeze %dma_wait3A_157 : memref<1x800x64xf32, #tpu.memory_space<vmem>> -> memref<800x64xf32, #tpu.memory_space<vmem>>
    tpu.wait_dma2 semaphore(%arg9 : memref<!tpu.dma_semaphore, #tpu.memory_space<semaphore_mem>>) src(%dma_wait3A_158 : memref<800x64xf32, #tpu.memory_space<vmem>>) dst(%dma_wait3A_154 : memref<800x64xf32, #tpu.memory_space<hbm>>)
    %dma_wait3A_159 = arith.constant 0 : i32
    %dma_wait3A_160 = arith.constant 0 : i32
    %dma_wait3A_161 = tpu.memref_slice %arg5[%dma_wait3A_159, %dma_wait3A_160] : memref<2x800xi32, #tpu.memory_space<vmem>> -> memref<1x800xi32, #tpu.memory_space<vmem>>
    %dma_wait3A_162 = tpu.memref_squeeze %dma_wait3A_161 : memref<1x800xi32, #tpu.memory_space<vmem>> -> memref<800xi32, #tpu.memory_space<vmem>>
    %dma_wait3A_163 = tpu.memref_slice %arg3[%mul3A_2] : memref<819200xi32, #tpu.memory_space<hbm>> -> memref<800xi32, #tpu.memory_space<hbm>>
    %dma_wait3A_164 = arith.constant 0 : i32
    %dma_wait3A_165 = tpu.memref_slice %arg5[%dma_wait3A_159, %dma_wait3A_164] : memref<2x800xi32, #tpu.memory_space<vmem>> -> memref<1x800xi32, #tpu.memory_space<vmem>>
    %dma_wait3A_166 = tpu.memref_squeeze %dma_wait3A_165 : memref<1x800xi32, #tpu.memory_space<vmem>> -> memref<800xi32, #tpu.memory_space<vmem>>
    %dma_wait3A_167 = tpu.memref_slice %arg3[%mul3A_2] : memref<819200xi32, #tpu.memory_space<hbm>> -> memref<800xi32, #tpu.memory_space<hbm>>
    tpu.wait_dma2 semaphore(%arg7 : memref<!tpu.dma_semaphore, #tpu.memory_space<semaphore_mem>>) src(%dma_wait3A_167 : memref<800xi32, #tpu.memory_space<hbm>>) dst(%dma_wait3A_166 : memref<800xi32, #tpu.memory_space<vmem>>)
    %dma_start3A_168 = arith.constant 0 : i32
    %dma_start3A_169 = arith.constant 0 : i32
    %dma_start3A_170 = arith.constant 0 : i32
    %dma_start3A_171 = arith.constant 0 : i32
    %dma_start3A_172 = tpu.memref_slice %arg6[%dma_start3A_169, %dma_start3A_170, %dma_start3A_171] : memref<2x800x64xf32, #tpu.memory_space<vmem>> -> memref<1x800x64xf32, #tpu.memory_space<vmem>>
    %dma_start3A_173 = tpu.memref_squeeze %dma_start3A_172 : memref<1x800x64xf32, #tpu.memory_space<vmem>> -> memref<800x64xf32, #tpu.memory_space<vmem>>
    %dma_start3A_174 = arith.constant 0 : i32
    %dma_start3A_175 = tpu.memref_slice %arg5[%dma_start3A_168, %dma_start3A_174] : memref<2x800xi32, #tpu.memory_space<vmem>> -> memref<1x800xi32, #tpu.memory_space<vmem>>
    %dma_start3A_176 = tpu.memref_squeeze %dma_start3A_175 : memref<1x800xi32, #tpu.memory_space<vmem>> -> memref<800xi32, #tpu.memory_space<vmem>>
    %dma_start3A_177 = arith.constant 0 : i32
    %dma_start3A_178 = arith.constant 0 : i32
    %dma_start3A_179 = tpu.memref_slice %arg2[%dma_start3A_177, %dma_start3A_178] : memref<1000000x64xf32, #tpu.memory_space<hbm>> -> memref<1000000x64xf32, #tpu.memory_space<hbm>>
    tpu.enqueue_indirect_dma source(%dma_start3A_179 : memref<1000000x64xf32, #tpu.memory_space<hbm>>) target(%dma_start3A_173 : memref<800x64xf32, #tpu.memory_space<vmem>>) offsets(%dma_start3A_176 : memref<800xi32, #tpu.memory_space<vmem>>) semaphore(%arg8 : memref<!tpu.dma_semaphore, #tpu.memory_space<semaphore_mem>>)
    %dma_wait3A_180 = arith.constant 0 : i32
    %dma_wait3A_181 = arith.constant 0 : i32
    %dma_wait3A_182 = arith.constant 0 : i32
    %dma_wait3A_183 = arith.constant 0 : i32
    %dma_wait3A_184 = tpu.memref_slice %arg6[%dma_wait3A_181, %dma_wait3A_182, %dma_wait3A_183] : memref<2x800x64xf32, #tpu.memory_space<vmem>> -> memref<1x800x64xf32, #tpu.memory_space<vmem>>
    %dma_wait3A_185 = tpu.memref_squeeze %dma_wait3A_184 : memref<1x800x64xf32, #tpu.memory_space<vmem>> -> memref<800x64xf32, #tpu.memory_space<vmem>>
    %dma_wait3A_186 = arith.constant 0 : i32
    %dma_wait3A_187 = tpu.memref_slice %arg5[%dma_wait3A_180, %dma_wait3A_186] : memref<2x800xi32, #tpu.memory_space<vmem>> -> memref<1x800xi32, #tpu.memory_space<vmem>>
    %dma_wait3A_188 = tpu.memref_squeeze %dma_wait3A_187 : memref<1x800xi32, #tpu.memory_space<vmem>> -> memref<800xi32, #tpu.memory_space<vmem>>
    %dma_wait3A_189 = arith.constant 0 : i32
    %dma_wait3A_190 = arith.constant 0 : i32
    %dma_wait3A_191 = tpu.memref_slice %arg2[%dma_wait3A_189, %dma_wait3A_190] : memref<1000000x64xf32, #tpu.memory_space<hbm>> -> memref<1000000x64xf32, #tpu.memory_space<hbm>>
    tpu.wait_indirect_dma semaphore(%arg8 : memref<!tpu.dma_semaphore, #tpu.memory_space<semaphore_mem>>) src(%dma_wait3A_191 : memref<1000000x64xf32, #tpu.memory_space<hbm>>) dst(%dma_wait3A_185 : memref<800x64xf32, #tpu.memory_space<vmem>>)
    %add3A_192 = arith.constant 24000 : i32
    %add3A_193 = arith.addi %mul3A_2, %add3A_192 : i32
    %dma_start3A_194 = arith.constant 0 : i32
    %dma_start3A_195 = arith.constant 0 : i32
    %dma_start3A_196 = arith.constant 0 : i32
    %dma_start3A_197 = tpu.memref_slice %arg6[%dma_start3A_194, %dma_start3A_195, %dma_start3A_196] : memref<2x800x64xf32, #tpu.memory_space<vmem>> -> memref<1x800x64xf32, #tpu.memory_space<vmem>>
    %dma_start3A_198 = tpu.memref_squeeze %dma_start3A_197 : memref<1x800x64xf32, #tpu.memory_space<vmem>> -> memref<800x64xf32, #tpu.memory_space<vmem>>
    %dma_start3A_199 = arith.constant 0 : i32
    %dma_start3A_200 = tpu.memref_slice %arg4[%add3A_193, %dma_start3A_199] : memref<819200x64xf32, #tpu.memory_space<hbm>> -> memref<800x64xf32, #tpu.memory_space<hbm>>
    %dma_start3A_201 = arith.constant 0 : i32
    %dma_start3A_202 = tpu.memref_slice %arg4[%add3A_193, %dma_start3A_201] : memref<819200x64xf32, #tpu.memory_space<hbm>> -> memref<800x64xf32, #tpu.memory_space<hbm>>
    %dma_start3A_203 = arith.constant 0 : i32
    %dma_start3A_204 = arith.constant 0 : i32
    %dma_start3A_205 = tpu.memref_slice %arg6[%dma_start3A_194, %dma_start3A_203, %dma_start3A_204] : memref<2x800x64xf32, #tpu.memory_space<vmem>> -> memref<1x800x64xf32, #tpu.memory_space<vmem>>
    %dma_start3A_206 = tpu.memref_squeeze %dma_start3A_205 : memref<1x800x64xf32, #tpu.memory_space<vmem>> -> memref<800x64xf32, #tpu.memory_space<vmem>>
    tpu.enqueue_dma source(%dma_start3A_206 : memref<800x64xf32, #tpu.memory_space<vmem>>) target(%dma_start3A_202 : memref<800x64xf32, #tpu.memory_space<hbm>>) target_semaphore(%arg9 : memref<!tpu.dma_semaphore, #tpu.memory_space<semaphore_mem>>)
    %dma_wait3A_207 = arith.constant 1 : i32
    %dma_wait3A_208 = arith.constant 0 : i32
    %dma_wait3A_209 = arith.constant 0 : i32
    %dma_wait3A_210 = tpu.memref_slice %arg6[%dma_wait3A_207, %dma_wait3A_208, %dma_wait3A_209] : memref<2x800x64xf32, #tpu.memory_space<vmem>> -> memref<1x800x64xf32, #tpu.memory_space<vmem>>
    %dma_wait3A_211 = tpu.memref_squeeze %dma_wait3A_210 : memref<1x800x64xf32, #tpu.memory_space<vmem>> -> memref<800x64xf32, #tpu.memory_space<vmem>>
    %dma_wait3A_212 = arith.constant 0 : i32
    %dma_wait3A_213 = tpu.memref_slice %arg4[%mul3A_2, %dma_wait3A_212] : memref<819200x64xf32, #tpu.memory_space<hbm>> -> memref<800x64xf32, #tpu.memory_space<hbm>>
    %dma_wait3A_214 = arith.constant 0 : i32
    %dma_wait3A_215 = tpu.memref_slice %arg4[%mul3A_2, %dma_wait3A_214] : memref<819200x64xf32, #tpu.memory_space<hbm>> -> memref<800x64xf32, #tpu.memory_space<hbm>>
    %dma_wait3A_216 = arith.constant 0 : i32
    %dma_wait3A_217 = arith.constant 0 : i32
    %dma_wait3A_218 = tpu.memref_slice %arg6[%dma_wait3A_207, %dma_wait3A_216, %dma_wait3A_217] : memref<2x800x64xf32, #tpu.memory_space<vmem>> -> memref<1x800x64xf32, #tpu.memory_space<vmem>>
    %dma_wait3A_219 = tpu.memref_squeeze %dma_wait3A_218 : memref<1x800x64xf32, #tpu.memory_space<vmem>> -> memref<800x64xf32, #tpu.memory_space<vmem>>
    tpu.wait_dma2 semaphore(%arg9 : memref<!tpu.dma_semaphore, #tpu.memory_space<semaphore_mem>>) src(%dma_wait3A_219 : memref<800x64xf32, #tpu.memory_space<vmem>>) dst(%dma_wait3A_215 : memref<800x64xf32, #tpu.memory_space<hbm>>)
    %dma_wait3A_220 = arith.constant 1 : i32
    %dma_wait3A_221 = arith.constant 0 : i32
    %dma_wait3A_222 = tpu.memref_slice %arg5[%dma_wait3A_220, %dma_wait3A_221] : memref<2x800xi32, #tpu.memory_space<vmem>> -> memref<1x800xi32, #tpu.memory_space<vmem>>
    %dma_wait3A_223 = tpu.memref_squeeze %dma_wait3A_222 : memref<1x800xi32, #tpu.memory_space<vmem>> -> memref<800xi32, #tpu.memory_space<vmem>>
    %dma_wait3A_224 = tpu.memref_slice %arg3[%mul3A_2] : memref<819200xi32, #tpu.memory_space<hbm>> -> memref<800xi32, #tpu.memory_space<hbm>>
    %dma_wait3A_225 = arith.constant 0 : i32
    %dma_wait3A_226 = tpu.memref_slice %arg5[%dma_wait3A_220, %dma_wait3A_225] : memref<2x800xi32, #tpu.memory_space<vmem>> -> memref<1x800xi32, #tpu.memory_space<vmem>>
    %dma_wait3A_227 = tpu.memref_squeeze %dma_wait3A_226 : memref<1x800xi32, #tpu.memory_space<vmem>> -> memref<800xi32, #tpu.memory_space<vmem>>
    %dma_wait3A_228 = tpu.memref_slice %arg3[%mul3A_2] : memref<819200xi32, #tpu.memory_space<hbm>> -> memref<800xi32, #tpu.memory_space<hbm>>
    tpu.wait_dma2 semaphore(%arg7 : memref<!tpu.dma_semaphore, #tpu.memory_space<semaphore_mem>>) src(%dma_wait3A_228 : memref<800xi32, #tpu.memory_space<hbm>>) dst(%dma_wait3A_227 : memref<800xi32, #tpu.memory_space<vmem>>)
    %dma_start3A_229 = arith.constant 1 : i32
    %dma_start3A_230 = arith.constant 1 : i32
    %dma_start3A_231 = arith.constant 0 : i32
    %dma_start3A_232 = arith.constant 0 : i32
    %dma_start3A_233 = tpu.memref_slice %arg6[%dma_start3A_230, %dma_start3A_231, %dma_start3A_232] : memref<2x800x64xf32, #tpu.memory_space<vmem>> -> memref<1x800x64xf32, #tpu.memory_space<vmem>>
    %dma_start3A_234 = tpu.memref_squeeze %dma_start3A_233 : memref<1x800x64xf32, #tpu.memory_space<vmem>> -> memref<800x64xf32, #tpu.memory_space<vmem>>
    %dma_start3A_235 = arith.constant 0 : i32
    %dma_start3A_236 = tpu.memref_slice %arg5[%dma_start3A_229, %dma_start3A_235] : memref<2x800xi32, #tpu.memory_space<vmem>> -> memref<1x800xi32, #tpu.memory_space<vmem>>
    %dma_start3A_237 = tpu.memref_squeeze %dma_start3A_236 : memref<1x800xi32, #tpu.memory_space<vmem>> -> memref<800xi32, #tpu.memory_space<vmem>>
    %dma_start3A_238 = arith.constant 0 : i32
    %dma_start3A_239 = arith.constant 0 : i32
    %dma_start3A_240 = tpu.memref_slice %arg2[%dma_start3A_238, %dma_start3A_239] : memref<1000000x64xf32, #tpu.memory_space<hbm>> -> memref<1000000x64xf32, #tpu.memory_space<hbm>>
    tpu.enqueue_indirect_dma source(%dma_start3A_240 : memref<1000000x64xf32, #tpu.memory_space<hbm>>) target(%dma_start3A_234 : memref<800x64xf32, #tpu.memory_space<vmem>>) offsets(%dma_start3A_237 : memref<800xi32, #tpu.memory_space<vmem>>) semaphore(%arg8 : memref<!tpu.dma_semaphore, #tpu.memory_space<semaphore_mem>>)
    %dma_wait3A_241 = arith.constant 1 : i32
    %dma_wait3A_242 = arith.constant 1 : i32
    %dma_wait3A_243 = arith.constant 0 : i32
    %dma_wait3A_244 = arith.constant 0 : i32
    %dma_wait3A_245 = tpu.memref_slice %arg6[%dma_wait3A_242, %dma_wait3A_243, %dma_wait3A_244] : memref<2x800x64xf32, #tpu.memory_space<vmem>> -> memref<1x800x64xf32, #tpu.memory_space<vmem>>
    %dma_wait3A_246 = tpu.memref_squeeze %dma_wait3A_245 : memref<1x800x64xf32, #tpu.memory_space<vmem>> -> memref<800x64xf32, #tpu.memory_space<vmem>>
    %dma_wait3A_247 = arith.constant 0 : i32
    %dma_wait3A_248 = tpu.memref_slice %arg5[%dma_wait3A_241, %dma_wait3A_247] : memref<2x800xi32, #tpu.memory_space<vmem>> -> memref<1x800xi32, #tpu.memory_space<vmem>>
    %dma_wait3A_249 = tpu.memref_squeeze %dma_wait3A_248 : memref<1x800xi32, #tpu.memory_space<vmem>> -> memref<800xi32, #tpu.memory_space<vmem>>
    %dma_wait3A_250 = arith.constant 0 : i32
    %dma_wait3A_251 = arith.constant 0 : i32
    %dma_wait3A_252 = tpu.memref_slice %arg2[%dma_wait3A_250, %dma_wait3A_251] : memref<1000000x64xf32, #tpu.memory_space<hbm>> -> memref<1000000x64xf32, #tpu.memory_space<hbm>>
    tpu.wait_indirect_dma semaphore(%arg8 : memref<!tpu.dma_semaphore, #tpu.memory_space<semaphore_mem>>) src(%dma_wait3A_252 : memref<1000000x64xf32, #tpu.memory_space<hbm>>) dst(%dma_wait3A_246 : memref<800x64xf32, #tpu.memory_space<vmem>>)
    %add3A_253 = arith.constant 24800 : i32
    %add3A_254 = arith.addi %mul3A_2, %add3A_253 : i32
    %dma_start3A_255 = arith.constant 1 : i32
    %dma_start3A_256 = arith.constant 0 : i32
    %dma_start3A_257 = arith.constant 0 : i32
    %dma_start3A_258 = tpu.memref_slice %arg6[%dma_start3A_255, %dma_start3A_256, %dma_start3A_257] : memref<2x800x64xf32, #tpu.memory_space<vmem>> -> memref<1x800x64xf32, #tpu.memory_space<vmem>>
    %dma_start3A_259 = tpu.memref_squeeze %dma_start3A_258 : memref<1x800x64xf32, #tpu.memory_space<vmem>> -> memref<800x64xf32, #tpu.memory_space<vmem>>
    %dma_start3A_260 = arith.constant 0 : i32
    %dma_start3A_261 = tpu.memref_slice %arg4[%add3A_254, %dma_start3A_260] : memref<819200x64xf32, #tpu.memory_space<hbm>> -> memref<800x64xf32, #tpu.memory_space<hbm>>
    %dma_start3A_262 = arith.constant 0 : i32
    %dma_start3A_263 = tpu.memref_slice %arg4[%add3A_254, %dma_start3A_262] : memref<819200x64xf32, #tpu.memory_space<hbm>> -> memref<800x64xf32, #tpu.memory_space<hbm>>
    %dma_start3A_264 = arith.constant 0 : i32
    %dma_start3A_265 = arith.constant 0 : i32
    %dma_start3A_266 = tpu.memref_slice %arg6[%dma_start3A_255, %dma_start3A_264, %dma_start3A_265] : memref<2x800x64xf32, #tpu.memory_space<vmem>> -> memref<1x800x64xf32, #tpu.memory_space<vmem>>
    %dma_start3A_267 = tpu.memref_squeeze %dma_start3A_266 : memref<1x800x64xf32, #tpu.memory_space<vmem>> -> memref<800x64xf32, #tpu.memory_space<vmem>>
    tpu.enqueue_dma source(%dma_start3A_267 : memref<800x64xf32, #tpu.memory_space<vmem>>) target(%dma_start3A_263 : memref<800x64xf32, #tpu.memory_space<hbm>>) target_semaphore(%arg9 : memref<!tpu.dma_semaphore, #tpu.memory_space<semaphore_mem>>)
    %dma_wait3A_268 = arith.constant 0 : i32
    %dma_wait3A_269 = arith.constant 0 : i32
    %dma_wait3A_270 = arith.constant 0 : i32
    %dma_wait3A_271 = tpu.memref_slice %arg6[%dma_wait3A_268, %dma_wait3A_269, %dma_wait3A_270] : memref<2x800x64xf32, #tpu.memory_space<vmem>> -> memref<1x800x64xf32, #tpu.memory_space<vmem>>
    %dma_wait3A_272 = tpu.memref_squeeze %dma_wait3A_271 : memref<1x800x64xf32, #tpu.memory_space<vmem>> -> memref<800x64xf32, #tpu.memory_space<vmem>>
    %dma_wait3A_273 = arith.constant 0 : i32
    %dma_wait3A_274 = tpu.memref_slice %arg4[%mul3A_2, %dma_wait3A_273] : memref<819200x64xf32, #tpu.memory_space<hbm>> -> memref<800x64xf32, #tpu.memory_space<hbm>>
    %dma_wait3A_275 = arith.constant 0 : i32
    %dma_wait3A_276 = tpu.memref_slice %arg4[%mul3A_2, %dma_wait3A_275] : memref<819200x64xf32, #tpu.memory_space<hbm>> -> memref<800x64xf32, #tpu.memory_space<hbm>>
    %dma_wait3A_277 = arith.constant 0 : i32
    %dma_wait3A_278 = arith.constant 0 : i32
    %dma_wait3A_279 = tpu.memref_slice %arg6[%dma_wait3A_268, %dma_wait3A_277, %dma_wait3A_278] : memref<2x800x64xf32, #tpu.memory_space<vmem>> -> memref<1x800x64xf32, #tpu.memory_space<vmem>>
    %dma_wait3A_280 = tpu.memref_squeeze %dma_wait3A_279 : memref<1x800x64xf32, #tpu.memory_space<vmem>> -> memref<800x64xf32, #tpu.memory_space<vmem>>
    tpu.wait_dma2 semaphore(%arg9 : memref<!tpu.dma_semaphore, #tpu.memory_space<semaphore_mem>>) src(%dma_wait3A_280 : memref<800x64xf32, #tpu.memory_space<vmem>>) dst(%dma_wait3A_276 : memref<800x64xf32, #tpu.memory_space<hbm>>)
    %dma_wait3A_281 = arith.constant 1 : i32
    %dma_wait3A_282 = arith.constant 0 : i32
    %dma_wait3A_283 = arith.constant 0 : i32
    %dma_wait3A_284 = tpu.memref_slice %arg6[%dma_wait3A_281, %dma_wait3A_282, %dma_wait3A_283] : memref<2x800x64xf32, #tpu.memory_space<vmem>> -> memref<1x800x64xf32, #tpu.memory_space<vmem>>
    %dma_wait3A_285 = tpu.memref_squeeze %dma_wait3A_284 : memref<1x800x64xf32, #tpu.memory_space<vmem>> -> memref<800x64xf32, #tpu.memory_space<vmem>>
    %dma_wait3A_286 = arith.constant 0 : i32
    %dma_wait3A_287 = tpu.memref_slice %arg4[%mul3A_2, %dma_wait3A_286] : memref<819200x64xf32, #tpu.memory_space<hbm>> -> memref<800x64xf32, #tpu.memory_space<hbm>>
    %dma_wait3A_288 = arith.constant 0 : i32
    %dma_wait3A_289 = tpu.memref_slice %arg4[%mul3A_2, %dma_wait3A_288] : memref<819200x64xf32, #tpu.memory_space<hbm>> -> memref<800x64xf32, #tpu.memory_space<hbm>>
    %dma_wait3A_290 = arith.constant 0 : i32
    %dma_wait3A_291 = arith.constant 0 : i32
    %dma_wait3A_292 = tpu.memref_slice %arg6[%dma_wait3A_281, %dma_wait3A_290, %dma_wait3A_291] : memref<2x800x64xf32, #tpu.memory_space<vmem>> -> memref<1x800x64xf32, #tpu.memory_space<vmem>>
    %dma_wait3A_293 = tpu.memref_squeeze %dma_wait3A_292 : memref<1x800x64xf32, #tpu.memory_space<vmem>> -> memref<800x64xf32, #tpu.memory_space<vmem>>
    tpu.wait_dma2 semaphore(%arg9 : memref<!tpu.dma_semaphore, #tpu.memory_space<semaphore_mem>>) src(%dma_wait3A_293 : memref<800x64xf32, #tpu.memory_space<vmem>>) dst(%dma_wait3A_289 : memref<800x64xf32, #tpu.memory_space<hbm>>)
    return
  }
}

</mosaic_0001>

<sc_bundles>
// kernel: kernel.3.cloned.1.call-start
scs
__scs_entry_jumppad:
0x0: {  	(pc) =	sbr.rel $0x88, $3  }
0x1: {  	(tag) =	ssettag $0x0;
	lr =	simm.s32 $0x1  }
0x2: {  	[smem:$0x3F9F] =	sst lr;
	_ =	strace $0xD0000000  }
0x3: {  	_ = 	snop  }
0x4: {  	_ = 	snop  }
0x5: {  	_ = 	snop  }
0x6: {  	_ = 	snop  }
0x7: {  	_ = 	snop  }
__scs_overlays_trampoline_lowered:
0x8: {  	[smem:$0x3FAE] =	sst s0  }
0x9: {  	[smem:$0x3FAF] =	sst s1  }
0xa: {  	[smem:$0x3FB0] =	sst s2  }
0xb: {  	[smem:$0x3FB1] =	sst s3  }
0xc: {  	[smem:$0x3FB2] =	sst s4  }
0xd: {  	[smem:$0x3FB3] =	sst s5  }
0xe: {  	[smem:$0x3FB4] =	sst s6  }
0xf: {  	[smem:$0x3FB5] =	sst s7  }
0x10: {  	[smem:$0x3FB6] =	sst s8  }
0x11: {  	[smem:$0x3FB7] =	sst s9;
	s0 =	simm.s32 @!p0 $0x0  }
0x12: {  	s1 =	sld [smem:$0x3F9D];
	s0 =	simm.s32 @p0 $0x1  }
0x13: {  	[smem:$0x3FB8] =	sst s0;
	s0 =	simm.s32 @!p1 $0x0  }
0x14: {  	s2 =	sld [smem:$0x3F9C];
	s0 =	simm.s32 @p1 $0x1  }
0x15: {  	[smem:$0x3FB9] =	sst s0;
	s0 =	simm.s32 @!p2 $0x0  }
0x16: {  	s3 =	sld [smem:$0x3FDB];
	s0 =	simm.s32 @p2 $0x1  }
0x17: {  	s4 =	simm.s32 $0x1BF5;
	[smem:$0x3FBB] =	sst s0  }
0x18: {  	s0 =	sld [smem:$0x3F9E];
	_ =	swait.ge [sflag:s4], $0x0  }
0x19: {  	s7 =	sld [smem:$0x3F9F]  }
0x1a: {  	s8 =	sadd.s32 $0xFFFFE003, lr  }
0x1b: {  	s9 =	sadd.s32 $0xFFFFFEF7, lr;
	s5 =	simm.s32 $0xFFFFFFFF;
	p2 =	slt.u32 s8, $0xFFFFF086  }
0x1c: {  	p1 =	slt.u32 s9, $0xF7A;
	s5 =	simm.s32 @!p2 $0x0  }
0x1d: {  	s5 =	simm.s32 @p1 $0x1;
	p0 =	seq.s32 s7, s2  }
0x1e: {  	s7 =	smul.u32 @!p0 $0xF7A, s2;
	p2 =	seq.s32 @!p0 s5, $0x0  }
0x1f: {  	s9 =	smul.u32 $0xF7A, s1;
	s8 =	simm.s32 @!p0 $0x1BF5;
	p2 =	por !p2, p0  }
0x20: {  	[sflag:s8] =	ssyncset.s32 @!p0 $0xFFFFF086;
	s6 =	sadd.s32 @!p0 s3, s7;
	s7 =	simm.s32 @!p0 $0x108  }
0x21: {  	s3 =	sadd.s32 s3, s9;
	s6 =	sadd.s32 @!p0 $0x88, s6;
	s7 =	simm.s32 @p2 $0x1082  }
0x22: {  	[simem:s7], [sflag:s8] =	dma.local @!p0 [hbm:s6], $0xF7A  }
0x23: {  	s9 =	sor.u32 $0xD0000000, s2;
	s6 =	simm.s32 $0x108;
	_ =	swait.ge @!p0 [sflag:s8], $0x0  }
0x24: {  	s3 =	sadd.s32 $0x88, s3;
	s6 =	simm.s32 @!p1 $0x1082;
	[sflag:s4] =	ssyncset.s32 $0xFFFFF086  }
0x25: {  	[simem:s6], [sflag:s4] =	dma.local [hbm:s3], $0xF7A  }
0x26: {  	[smem:$0x3F9F] =	sst s1;
	(tag) =	ssettag s2;
	_ =	strace s9  }
0x27: {  	s1 =	sld [smem:$0x3FAF]  }
0x28: {  	s2 =	sld [smem:$0x3FB0]  }
0x29: {  	s4 =	sld [smem:$0x3FB2]  }
0x2a: {  	p0 =	seq.s32 s5, $0x0;
	s5 =	sld [smem:$0x3FB3]  }
0x2b: {  	s6 =	sld [smem:$0x3FB4]  }
0x2c: {  	s7 =	sld [smem:$0x3FB5]  }
0x2d: {  	s3 =	simm.s32 $0x108;
	s8 =	sld [smem:$0x3FB6]  }
0x2e: {  	s3 =	simm.s32 @!p0 $0x1082;
	s9 =	sld [smem:$0x3FB7]  }
0x2f: {  	lr =	sadd.s32 s0, s3;
	s0 =	sld [smem:$0x3FAE]  }
0x30: {  	s3 =	sld [smem:$0x3FB1]  }
0x31: {  	[smem:$0x3FBA] =	sst s10  }
0x32: {  	s10 =	sld [smem:$0x3FB8];
	_ =	sdelay $0x3  }
0x33: {  	p0 =	seq.s32 s10, $0x1;
	s10 =	sld [smem:$0x3FBA];
	_ =	sdelay $0x3  }
0x34: {  	[smem:$0x3FBA] =	sst s10  }
0x35: {  	s10 =	sld [smem:$0x3FB9];
	_ =	sdelay $0x3  }
0x36: {  	p1 =	seq.s32 s10, $0x1;
	s10 =	sld [smem:$0x3FBA];
	_ =	sdelay $0x3  }
0x37: {  	[smem:$0x3FBA] =	sst s10  }
0x38: {  	s10 =	sld [smem:$0x3FBB]  }
0x39: {  	_ = 	snop;
	(pc) =	sbr.ind lr, $3  }
0x3a: {  	_ = 	snop  }
0x3b: {  	_ = 	snop  }
0x3c: {  	p2 =	seq.s32 s10, $0x1;
	s10 =	sld [smem:$0x3FBA]  }
0x3d: {  	_ =	shalt  }
0x3e: {  	_ =	shalt  }
0x3f: {  	_ =	shalt  }
0x40: {  	_ =	shalt  }
0x41: {  	_ =	shalt  }
0x42: {  	_ =	shalt  }
0x43: {  	_ =	shalt  }
0x44: {  	_ =	shalt  }
0x45: {  	_ =	shalt  }
0x46: {  	_ =	shalt  }
0x47: {  	_ =	shalt  }
0x48: {  	_ =	shalt  }
0x49: {  	_ =	shalt  }
0x4a: {  	_ =	shalt  }
0x4b: {  	_ =	shalt  }
0x4c: {  	_ =	shalt  }
0x4d: {  	_ =	shalt  }
0x4e: {  	_ =	shalt  }
0x4f: {  	_ =	shalt  }
0x50: {  	_ =	shalt  }
0x51: {  	_ =	shalt  }
0x52: {  	_ =	shalt  }
0x53: {  	_ =	shalt  }
0x54: {  	_ =	shalt  }
0x55: {  	_ =	shalt  }
0x56: {  	_ =	shalt  }
0x57: {  	_ =	shalt  }
0x58: {  	_ =	shalt  }
0x59: {  	_ =	shalt  }
0x5a: {  	_ =	shalt  }
0x5b: {  	_ =	shalt  }
0x5c: {  	_ =	shalt  }
0x5d: {  	_ =	shalt  }
0x5e: {  	_ =	shalt  }
0x5f: {  	_ =	shalt  }
0x60: {  	_ =	shalt  }
0x61: {  	_ =	shalt  }
0x62: {  	_ =	shalt  }
0x63: {  	_ =	shalt  }
0x64: {  	_ =	shalt  }
0x65: {  	_ =	shalt  }
0x66: {  	_ =	shalt  }
0x67: {  	_ =	shalt  }
0x68: {  	_ =	shalt  }
0x69: {  	_ =	shalt  }
0x6a: {  	_ =	shalt  }
0x6b: {  	_ =	shalt  }
0x6c: {  	_ =	shalt  }
0x6d: {  	_ =	shalt  }
0x6e: {  	_ =	shalt  }
0x6f: {  	_ =	shalt  }
0x70: {  	_ =	shalt  }
0x71: {  	_ =	shalt  }
0x72: {  	_ =	shalt  }
0x73: {  	_ =	shalt  }
0x74: {  	_ =	shalt  }
0x75: {  	_ =	shalt  }
0x76: {  	_ =	shalt  }
0x77: {  	_ =	shalt  }
0x78: {  	_ =	shalt  }
0x79: {  	_ =	shalt  }
0x7a: {  	_ =	shalt  }
0x7b: {  	_ =	shalt  }
0x7c: {  	_ =	shalt  }
0x7d: {  	_ =	shalt  }
0x7e: {  	_ =	shalt  }
0x7f: {  	_ =	shalt  }
0x80: {  	_ =	shalt  }
0x81: {  	_ =	shalt  }
0x82: {  	_ =	shalt  }
0x83: {  	_ =	shalt  }
0x84: {  	_ =	shalt  }
0x85: {  	_ =	shalt  }
0x86: {  	_ =	shalt  }
0x87: {  	_ =	shalt  }
.Lfunc_end0:
.L_simem_size_0:
called_computation.1_lowered:
.L_overlay_start_0:
0x88: {  	s2 =	sld [smem:$0x3FD9]  }
0x89: {  	s3 =	sld [smem:$0x3FFE];
	_ =	sdelay $0x1  }
0x8a: {  	s1 =	srdreg.scid  }
0x8b: {  	s0 =	sand.u32 $0x1, s1  }
0x8c: {  	s17 =	sshll.u32 s0, $0xA;
	s2 =	sadd.s32 s3, s2  }
0x8d: {  	s2 =	sadd.s32 s2, s17  }
0x8e: {  	[smem:$0x3FC6] =	sst s2  }
0x8f: {  	_ = 	snop  }
0x90: {  	s2 =	sld [smem:$0x3FD0];
	(tm) =	ssettm $0x1  }
0x91: {  	s18 =	sld [smem:$0x3FFB];
	_ =	sdelay $0x3  }
0x92: {  	_ =	strace s18  }
0x93: {  	s3 =	sld [smem:$0x3FFC];
	_ =	sdelay $0x3  }
0x94: {  	_ =	strace s3  }
0x95: {  	s3 =	sld [smem:$0x3FFD];
	_ =	sdelay $0x3  }
0x96: {  	_ =	strace s3  }
0x97: {  	_ =	strace $0x8FFFFFFF  }
0x98: {  	s19 =	sld [smem:$0x3FDB];
	_ =	sdelay $0x1  }
0x99: {  	s4 =	simm.s32 $_scs_section_size  }
0x9a: {  	s5 =	simm.s32 $_size__tile_overlayer_lowered;
	s6 =	simm.s32 $_tile_overlayer_lowered  }
0x9b: {  	s22 =	simm.s32 $0x1BFF;
	s21 =	sshll.u32 s6, $0x1;
	s3 =	sadd.s32 s4, s19  }
0x9c: {  	s7 =	simm.s32 $0x0;
	s20 =	sshll.u32 s5, $0x1;
	s5 =	sadd.s32 s21, s3  }
0x9d: {  	[timem:s7], [sflag:s22] =	dma.local [hbm:s5], s20  }
0x9e: {  	_ =	swait.ge [sflag:s22], s20  }
0x9f: {  	s4 =	ssub.s32 $0x0, s20;
	[sflag:s22] =	ssyncset.done $0x0  }
0xa0: {  	[sflag:s22] =	ssyncadd.s32 s4;
	_ =	sdelay $0x1  }
0xa1: {  	s23 =	simm.s32 $0x1B8B  }
0xa2: {  	_ =	swait.ge [sflag:s23], $0x1  }
0xa3: {  	[sflag:s23] =	ssyncset.done $0x0  }
0xa4: {  	s25 =	simm.s32 $0x1B8E;
	s24 =	sld [smem:$0x3FFE];
	[sflag:s23] =	ssyncadd.s32 $0xFFFFFFFF  }
0xa5: {  	s26 =	simm.s32 $execute0_lowered;
	[smem:$0x3FD2] =	sst s25  }
0xa6: {  	s5 =	sshll.u32 s26, $0x1;
	_ =	strace $0x80000046;
	[dreg:$0x1] =	wrdreg $0xFFFFFFFF  }
0xa7: {  	s28 =	simm.s32 $_size_execute0_lowered;
	s3 =	sadd.s32 s3, s5;
	[dreg:$0x0] =	wrdreg $0x0  }
0xa8: {  	s5 =	sshll.u32 s28, $0x1;
	[dreg:$0x2] =	wrdreg s3  }
0xa9: {  	[dreg:$0x3] =	wrdreg s5  }
0xaa: {  	[dreg:$0x4] =	wrdreg $0xC0  }
0xab: {  	_ =	task [dreg:s7], $0x5FFFF  }
0xac: {  	[dreg:$0x1] =	wrdreg $0xFFFFFFFF  }
0xad: {  	[dreg:$0x0] =	wrdreg $0x60  }
0xae: {  	[dreg:$0x2] =	wrdreg s24  }
0xaf: {  	[dreg:$0x3] =	wrdreg s2  }
0xb0: {  	[dreg:$0x4] =	wrdreg $0x9  }
0xb1: {  	_ =	task.clear_ibuf [dreg:s7], $0x5FFFF;
	_ =	strace $0x90000046  }
0xb2: {  	s29 =	simm.s32 $0x9;
	_ =	strace $0x80000048  }
0xb3: {  	_ =	swait.ge [sflag:s29], $0x1  }
0xb4: {  	[sflag:s29] =	ssyncadd.s32 $0xFFFFFFFF  }
0xb5: {  	_ =	strace $0x90000048  }
0xb6: {  	_ =	sfence  }
0xb7: {  	s30 =	sld [smem:$0x0];
	_ =	sdelay $0x2  }
0xb8: {  	s31 =	sshll.u32 s1, $0xD;
	s1 =	sshrl.u32 s1, $0x2  }
0xb9: {  	s3 =	sand.u32 $0x4000, s31;
	s1 =	sadd.s32 s1, s30  }
0xba: {  	s0 =	sor.u32 s3, s0;
	s1 =	sshll.u32 s1, $0x11  }
0xbb: {  	s0 =	sor.u32 s1, s0  }
0xbc: {  	s0 =	sadd.s32 $0x8F2B, s0  }
0xbd: {  	[sflag:s0] =	ssyncadd.remote.s32 $0x1  }
0xbe: {  	_ =	sfence.sel $0xFFFF  }
0xbf: {  	[dreg:$0x0] =	wrdreg $0xFFFFFFFF;
	(pc) =	sbr.abs _section_cstart, $3  }
0xc0: {  	[dreg:$0x1] =	wrdreg $0xFFFFFFFF  }
0xc1: {  	_ =	task.clear_ibuf [dreg:s7], $0x2FFFF;
	_ =	strace $0x9FFFFFFF  }
0xc2: {  	(tm) =	ssettm $0x7FFFFFFF  }
0xc3: {  	_ =	shalt  }
tec
execute0_lowered:
.L_overlay_start_1:
0x0: {  	(tag) =	ssettag $0x1  }
0x1: {  	s4 =	rddreg [dreg:$0x0]  }
0x2: {  	s1 =	srdreg.scid;
	s0 =	stileid.u32  }
0x3: {  	s13 =	rddreg [dreg:$0x1];
	s2 =	simm.s32 $0x0;
	s19 =	simm.s32 $0x640  }
0x4: {  	s20 =	simm.s32 $0x2;
	s21 =	simm.s32 $0xCE40;
	s22 =	simm.s32 $0x3  }
0x5: {  	s23 =	simm.s32 $0x0;
	s8 =	sand.u32 $0x1, s1;
	s1 =	rddreg [dreg:$0x2]  }
0x6: {  	s3 =	sshll.u32 s0, $0x1;
	[smem:$0x7FF] =	sst s2;
	s14 =	smul.u32 $0xC800, s0  }
0x7: {  	s15 =	sadd.s32 $0xA00, s4;
	s6 =	sor.u32 s8, s3;
	s16 =	smul.u32 $0x6400, s8  }
0x8: {  	s5 =	ssub.s32 $0x2, s8;
	_ =	strace $0x80000047;
	s7 =	smul.u32 $0x6400, s6  }
0x9: {  	s3 =	sadd.s32 $0xF42E00, s4;
	s9 =	sshrl.u32 s5, $0x1;
	s30 =	smul.u32 $0x32000, s6  }
0xa: {  	s10 =	smul.u32 $0x190000, s6;
	s12 =	ssub.s32 s5, s9;
	s14 =	sadd.s32 s16, s14  }
0xb: {  	s26 =	sor.u32 $0x320, s7;
	s28 =	sshrl.u32 s7, $0x3;
	s6 =	sadd.s32 s13, s30  }
0xc: {  	s10 =	sshrl.u32 s10, $0x3;
	s12 =	smax.u32 s12, $0x1;
	s16 =	sadd.s32 $0xFA0, s14  }
0xd: {  	s17 =	sshll.u32 s14, $0x3;
	s18 =	sadd.s32 $0xC80, s14;
	s29 =	sshrl.u32 s26, $0x3  }
0xe: {  	s4 =	sadd.s32 s15, s28;
	s9 =	sshll.u32 s26, $0x3;
	s11 =	sadd.s32 s13, s10  }
0xf: {  	s16 =	sshrl.u32 s16, $0x3;
	s17 =	sadd.s32 s13, s17;
	s31 =	sshrl.u32 s18, $0x3  }
0x10: {  	s18 =	simm.s32 $0x1;
	s5 =	sadd.s32 s15, s29;
	s7 =	sadd.s32 $0xC8, s4  }
0x11: {  	s8 =	sadd.s32 s13, s9;
	s9 =	sadd.s32 $0x12C, s4;
	s10 =	sadd.s32 $0x2EE00, s11  }
0x12: {  	s11 =	sadd.s32 $0x30700, s11;
	s13 =	sadd.s32 s16, s15;
	s14 =	sadd.s32 $0x4B00, s17  }
0x13: {  	s15 =	sadd.s32 s31, s15;
	s16 =	sadd.s32 $0x3200, s17;
	s17 =	simm.s32 $0x320  }
.LBB2_1:
0x14: {  	[tilespmem:s2], [sflag:$0x1] =	stream.linear.gather [hbm4b:s4+s2], $0x320, $0x38;
	[tilespmem:$0x19640] =	vst v63  }
0x15: {  	_ = 	snop  }
0x16: {  	[tilespmem:s17], [sflag:$0x1] =	stream.linear.gather [hbm4b:s5+s2], $0x320, $0x38;
	[tilespmem:$0x19640] =	vst v63  }
0x17: {  	_ =	swait.ge [sflag:s18], $0x320  }
0x18: {  	[sflag:s18] =	ssyncset.done $0x0  }
0x19: {  	[sflag:s18] =	ssyncadd.s32 $0xFFFFFCE0  }
0x1a: {  	[tilespmem:s19], [sflag:$0x2] =	stream.indirect.gather [hbm4b:s3+s17], $0x40, s2, s17, $0xb8;
	[tilespmem:$0x19640] =	vst v63  }
0x1b: {  	_ =	swait.ge [sflag:s20], $0xC800  }
0x1c: {  	[sflag:s20] =	ssyncset.done $0x0  }
0x1d: {  	[sflag:s20] =	ssyncadd.s32 $0xFFFF3800  }
0x1e: {  	[hbm4b:s6+s2] =	stream.linear.scatter [tilespmem:s19], [sflag:$0x3], $0xC800, $0x38;
	[tilespmem:$0x19640] =	vst v63  }
0x1f: {  	_ = 	snop  }
0x20: {  	[tilespmem:s2], [sflag:$0x1] =	stream.linear.gather [hbm4b:s7+s2], $0x320, $0x38;
	[tilespmem:$0x19640] =	vst v63  }
0x21: {  	_ =	swait.ge [sflag:s18], $0x320  }
0x22: {  	[sflag:s18] =	ssyncset.done $0x0  }
0x23: {  	[sflag:s18] =	ssyncadd.s32 $0xFFFFFCE0  }
0x24: {  	[tilespmem:s21], [sflag:$0x2] =	stream.indirect.gather [hbm4b:s3+s17], $0x40, s17, s17, $0xb8;
	[tilespmem:$0x19640] =	vst v63  }
0x25: {  	_ =	swait.ge [sflag:s20], $0xC800  }
0x26: {  	[sflag:s20] =	ssyncset.done $0x0  }
0x27: {  	[sflag:s20] =	ssyncadd.s32 $0xFFFF3800  }
0x28: {  	[hbm4b:s8+s2] =	stream.linear.scatter [tilespmem:s21], [sflag:$0x3], $0xC800, $0x38;
	[tilespmem:$0x19640] =	vst v63  }
0x29: {  	_ = 	snop  }
0x2a: {  	[tilespmem:s17], [sflag:$0x1] =	stream.linear.gather [hbm4b:s9+s2], $0x320, $0x38;
	[tilespmem:$0x19640] =	vst v63  }
0x2b: {  	_ =	swait.ge [sflag:s22], $0xC800  }
0x2c: {  	[sflag:s22] =	ssyncset.done $0x0  }
0x2d: {  	[sflag:s22] =	ssyncadd.s32 $0xFFFF3800  }
0x2e: {  	_ =	swait.ge [sflag:s18], $0x320  }
0x2f: {  	[sflag:s18] =	ssyncset.done $0x0  }
0x30: {  	[sflag:s18] =	ssyncadd.s32 $0xFFFFFCE0  }
0x31: {  	[tilespmem:s19], [sflag:$0x2] =	stream.indirect.gather [hbm4b:s3+s17], $0x40, s2, s17, $0xb8;
	[tilespmem:$0x19640] =	vst v63  }
0x32: {  	_ =	swait.ge [sflag:s20], $0xC800  }
0x33: {  	[sflag:s20] =	ssyncset.done $0x0  }
0x34: {  	[sflag:s20] =	ssyncadd.s32 $0xFFFF3800  }
0x35: {  	[hbm4b:s16+s2] =	stream.linear.scatter [tilespmem:s19], [sflag:$0x3], $0xC800, $0x38;
	[tilespmem:$0x19640] =	vst v63  }
0x36: {  	s24 =	sadd.s32 $0x0, s15  }
0x37: {  	[tilespmem:s2], [sflag:$0x1] =	stream.linear.gather [hbm4b:s24+s2], $0x320, $0x38;
	[tilespmem:$0x19640] =	vst v63  }
0x38: {  	_ =	swait.ge [sflag:s22], $0xC800  }
0x39: {  	[sflag:s22] =	ssyncset.done $0x0  }
0x3a: {  	[sflag:s22] =	ssyncadd.s32 $0xFFFF3800  }
0x3b: {  	_ =	swait.ge [sflag:s18], $0x320  }
0x3c: {  	[sflag:s18] =	ssyncset.done $0x0  }
0x3d: {  	[sflag:s18] =	ssyncadd.s32 $0xFFFFFCE0  }
0x3e: {  	[tilespmem:s21], [sflag:$0x2] =	stream.indirect.gather [hbm4b:s3+s17], $0x40, s17, s17, $0xb8;
	[tilespmem:$0x19640] =	vst v63  }
0x3f: {  	_ =	swait.ge [sflag:s20], $0xC800  }
0x40: {  	s28 =	sadd.s32 $0x0, s13;
	s25 =	sadd.s32 $0x3200, s14;
	[sflag:s20] =	ssyncset.done $0x0  }
0x41: {  	s26 =	sadd.s32 $0x3200, s16;
	s24 =	simm.s32 $0xC8;
	[sflag:s20] =	ssyncadd.s32 $0xFFFF3800  }
0x42: {  	[hbm4b:s14+s2] =	stream.linear.scatter [tilespmem:s21], [sflag:$0x3], $0xC800, $0x38;
	[tilespmem:$0x19640] =	vst v63  }
.LBB2_2:
0x43: {  	[tilespmem:s17], [sflag:$0x1] =	stream.linear.gather [hbm4b:s28+s2], $0x320, $0x38;
	[tilespmem:$0x19640] =	vst v63  }
0x44: {  	s28 =	smov.u32 s24  }
0x45: {  	p0 =	sne.s32 s24, $0xA28;
	s24 =	sadd.s32 $0xC8, s24;
	_ =	swait.ge [sflag:s22], $0xC800  }
0x46: {  	[sflag:s22] =	ssyncset.done $0x0  }
0x47: {  	[sflag:s22] =	ssyncadd.s32 $0xFFFF3800  }
0x48: {  	_ =	swait.ge [sflag:s18], $0x320  }
0x49: {  	[sflag:s18] =	ssyncset.done $0x0  }
0x4a: {  	[sflag:s18] =	ssyncadd.s32 $0xFFFFFCE0  }
0x4b: {  	[tilespmem:s19], [sflag:$0x2] =	stream.indirect.gather [hbm4b:s3+s17], $0x40, s2, s17, $0xb8;
	[tilespmem:$0x19640] =	vst v63  }
0x4c: {  	_ =	swait.ge [sflag:s20], $0xC800  }
0x4d: {  	[sflag:s20] =	ssyncset.done $0x0  }
0x4e: {  	[sflag:s20] =	ssyncadd.s32 $0xFFFF3800  }
0x4f: {  	[hbm4b:s26+s2] =	stream.linear.scatter [tilespmem:s19], [sflag:$0x3], $0xC800, $0x38;
	[tilespmem:$0x19640] =	vst v63  }
0x50: {  	s29 =	sadd.s32 s28, s15  }
0x51: {  	[tilespmem:s2], [sflag:$0x1] =	stream.linear.gather [hbm4b:s29+s2], $0x320, $0x38;
	[tilespmem:$0x19640] =	vst v63  }
0x52: {  	_ =	swait.ge [sflag:s22], $0xC800  }
0x53: {  	[sflag:s22] =	ssyncset.done $0x0  }
0x54: {  	[sflag:s22] =	ssyncadd.s32 $0xFFFF3800  }
0x55: {  	_ =	swait.ge [sflag:s18], $0x320  }
0x56: {  	[sflag:s18] =	ssyncset.done $0x0  }
0x57: {  	[sflag:s18] =	ssyncadd.s32 $0xFFFFFCE0  }
0x58: {  	[tilespmem:s21], [sflag:$0x2] =	stream.indirect.gather [hbm4b:s3+s17], $0x40, s17, s17, $0xb8;
	[tilespmem:$0x19640] =	vst v63  }
.Ltmp0:
0x59: {  	_ =	swait.ge [sflag:s20], $0xC800;
	(pc) =	sbr.rel @p0 .LBB2_2-.Ltmp0, $4  }
0x5a: {  	[sflag:s20] =	ssyncset.done $0x0  }
0x5b: {  	[sflag:s20] =	ssyncadd.s32 $0xFFFF3800  }
0x5c: {  	[hbm4b:s25+s2] =	stream.linear.scatter [tilespmem:s21], [sflag:$0x3], $0xC800, $0x38;
	[tilespmem:$0x19640] =	vst v63  }
0x5d: {  	s28 =	sadd.s32 s28, s13;
	s26 =	sadd.s32 $0x3200, s26;
	s25 =	sadd.s32 $0x3200, s25  }
0x5e: {  	[tilespmem:s17], [sflag:$0x1] =	stream.linear.gather [hbm4b:s28+s2], $0x320, $0x38;
	[tilespmem:$0x19640] =	vst v63  }
0x5f: {  	_ =	swait.ge [sflag:s22], $0xC800  }
0x60: {  	[sflag:s22] =	ssyncset.done $0x0  }
0x61: {  	[sflag:s22] =	ssyncadd.s32 $0xFFFF3800  }
0x62: {  	_ =	swait.ge [sflag:s18], $0x320  }
0x63: {  	[sflag:s18] =	ssyncset.done $0x0  }
0x64: {  	[sflag:s18] =	ssyncadd.s32 $0xFFFFFCE0  }
0x65: {  	[tilespmem:s19], [sflag:$0x2] =	stream.indirect.gather [hbm4b:s3+s17], $0x40, s2, s17, $0xb8;
	[tilespmem:$0x19640] =	vst v63  }
0x66: {  	_ =	swait.ge [sflag:s20], $0xC800  }
0x67: {  	[sflag:s20] =	ssyncset.done $0x0  }
0x68: {  	[sflag:s20] =	ssyncadd.s32 $0xFFFF3800  }
0x69: {  	[hbm4b:s10+s2] =	stream.linear.scatter [tilespmem:s19], [sflag:$0x3], $0xC800, $0x38;
	[tilespmem:$0x19640] =	vst v63  }
0x6a: {  	_ =	swait.ge [sflag:s22], $0xC800  }
0x6b: {  	[sflag:s22] =	ssyncset.done $0x0  }
0x6c: {  	[sflag:s22] =	ssyncadd.s32 $0xFFFF3800  }
0x6d: {  	_ =	swait.ge [sflag:s18], $0x320  }
0x6e: {  	[sflag:s18] =	ssyncset.done $0x0  }
0x6f: {  	[sflag:s18] =	ssyncadd.s32 $0xFFFFFCE0  }
0x70: {  	[tilespmem:s21], [sflag:$0x2] =	stream.indirect.gather [hbm4b:s3+s17], $0x40, s17, s17, $0xb8;
	[tilespmem:$0x19640] =	vst v63  }
0x71: {  	_ =	swait.ge [sflag:s20], $0xC800  }
0x72: {  	[sflag:s20] =	ssyncset.done $0x0  }
0x73: {  	s23 =	sadd.s32 $0x1, s23;
	[sflag:s20] =	ssyncadd.s32 $0xFFFF3800  }
0x74: {  	[hbm4b:s11+s2] =	stream.linear.scatter [tilespmem:s21], [sflag:$0x3], $0xC800, $0x38;
	[tilespmem:$0x19640] =	vst v63  }
0x75: {  	p0 =	sne.s32 s23, s12;
	_ =	swait.ge [sflag:s22], $0xC800  }
.Ltmp1:
0x76: {  	[sflag:s22] =	ssyncset.done $0x0;
	(pc) =	sbr.rel @p0 .LBB2_1-.Ltmp1, $4  }
0x77: {  	[sflag:s22] =	ssyncadd.s32 $0xFFFF3800  }
0x78: {  	_ =	swait.ge [sflag:s22], $0xC800  }
0x79: {  	[sflag:s22] =	ssyncset.done $0x0  }
0x7a: {  	[sflag:s22] =	ssyncadd.s32 $0xFFFF3800  }
0x7b: {  	_ =	sfence.sel $0x180000  }
0x7c: {  	[bflag:$0x0] =	sbarrier.arrive $0xFFFF  }
0x7d: {  	p0 =	sne.s32 s0, $0x0;
	_ =	strace $0x90000047  }
0x7e: {  	s0 =	sadd.s32 @!p0 $0x100000, s1;
	[bflag:$0x2] =	sbarrier.arrive $0xFFFF  }
0x7f: {  	[sflag:s0] =	ssyncadd.tile.s32 @!p0 $0x1;
	_ =	shalt  }
.Lfunc_end2:
_tile_overlayer_lowered:
.L_overlay_start_2:
0x80: {  	(tag) =	ssettag $0x2  }
0x81: {  	s0 =	rddreg [dreg:$0x0];
	s2 =	stileid.u32  }
0x82: {  	s1 =	rddreg [dreg:$0x1];
	p0 =	sne.s32 s2, $0x0  }
0x83: {  	s3 =	rddreg [dreg:$0x2];
	[bflag:$0x3] =	sbarrier.arrive $0xFFFF;
	s2 =	simm.s32 @!p0 $0x1C04  }
0x84: {  	[timem:s3], [sflag:s2] =	dma.local @!p0 [hbm:s0], s1  }
0x85: {  	s0 =	simm.s32 @!p0 $0x4  }
0x86: {  	_ =	swait.ge @!p0 [sflag:s0], s1  }
0x87: {  	s1 =	ssub.s32 @!p0 $0x0, s1;
	[sflag:s0] =	ssyncset.done @!p0 $0x0  }
0x88: {  	[sflag:s0] =	ssyncadd.s32 @!p0 s1  }
0x89: {  	[bflag:$0x3] =	sbarrier.arrive $0xFFFF  }
0x8a: {  	_ =	shalt  }

// kernel: sparse-core-data-format-call.cloned.1.call-start
scs
called_computation_lowered:
.L_overlay_start_0:
0x0: {  	s2 =	sld [smem:$0x3FD9]  }
0x1: {  	s3 =	sld [smem:$0x3FFE];
	_ =	sdelay $0x1  }
0x2: {  	s1 =	srdreg.scid  }
0x3: {  	s0 =	sand.u32 $0x1, s1  }
0x4: {  	s18 =	sshll.u32 s0, $0xA;
	s2 =	sadd.s32 s3, s2  }
0x5: {  	s2 =	sadd.s32 s2, s18  }
0x6: {  	[smem:$0x3FC6] =	sst s2  }
0x7: {  	_ = 	snop  }
0x8: {  	s2 =	sld [smem:$0x3FD0];
	(tm) =	ssettm $0x1  }
0x9: {  	s19 =	sld [smem:$0x3FFB];
	_ =	sdelay $0x3  }
0xa: {  	_ =	strace s19  }
0xb: {  	s3 =	sld [smem:$0x3FFC];
	_ =	sdelay $0x3  }
0xc: {  	_ =	strace s3  }
0xd: {  	s3 =	sld [smem:$0x3FFD];
	_ =	sdelay $0x3  }
0xe: {  	_ =	strace s3  }
0xf: {  	_ =	strace $0x8FFFFFFF  }
0x10: {  	s20 =	sld [smem:$0x3FDB];
	_ =	sdelay $0x1  }
0x11: {  	s4 =	simm.s32 $_scs_section_size  }
0x12: {  	s5 =	simm.s32 $_size__tile_overlayer_lowered;
	s6 =	simm.s32 $_tile_overlayer_lowered  }
0x13: {  	s23 =	simm.s32 $0x1BFF;
	s22 =	sshll.u32 s6, $0x1;
	s3 =	sadd.s32 s4, s20  }
0x14: {  	s7 =	simm.s32 $0x0;
	s21 =	sshll.u32 s5, $0x1;
	s5 =	sadd.s32 s22, s3  }
0x15: {  	[timem:s7], [sflag:s23] =	dma.local [hbm:s5], s21  }
0x16: {  	_ =	swait.ge [sflag:s23], s21  }
0x17: {  	s4 =	ssub.s32 $0x0, s21;
	[sflag:s23] =	ssyncset.done $0x0  }
0x18: {  	[sflag:s23] =	ssyncadd.s32 s4;
	_ =	sdelay $0x1  }
0x19: {  	s24 =	simm.s32 $0x1B8B  }
0x1a: {  	_ =	swait.ge [sflag:s24], $0x1  }
0x1b: {  	[sflag:s24] =	ssyncset.done $0x0  }
0x1c: {  	s26 =	simm.s32 $0x1B8E;
	s25 =	sld [smem:$0x3FFE];
	[sflag:s24] =	ssyncadd.s32 $0xFFFFFFFF  }
0x1d: {  	s27 =	simm.s32 $execute0_lowered;
	[smem:$0x3FD2] =	sst s26  }
0x1e: {  	s5 =	sshll.u32 s27, $0x1;
	_ =	strace $0x80000049;
	[dreg:$0x1] =	wrdreg $0xFFFFFFFF  }
0x1f: {  	s28 =	simm.s32 $_size_execute0_lowered;
	s3 =	sadd.s32 s3, s5;
	[dreg:$0x0] =	wrdreg $0x0  }
0x20: {  	s5 =	sshll.u32 s28, $0x1;
	[dreg:$0x2] =	wrdreg s3  }
0x21: {  	[dreg:$0x3] =	wrdreg s5  }
0x22: {  	[dreg:$0x4] =	wrdreg $0xC0  }
0x23: {  	_ =	task [dreg:s7], $0x5FFFF  }
0x24: {  	[dreg:$0x1] =	wrdreg $0xFFFFFFFF  }
0x25: {  	[dreg:$0x0] =	wrdreg $0x60  }
0x26: {  	[dreg:$0x2] =	wrdreg s25  }
0x27: {  	[dreg:$0x3] =	wrdreg s2  }
0x28: {  	[dreg:$0x4] =	wrdreg $0x9  }
0x29: {  	_ =	task.clear_ibuf [dreg:s7], $0x5FFFF;
	_ =	strace $0x90000049  }
0x2a: {  	s29 =	simm.s32 $0x9;
	_ =	strace $0x8000004B  }
0x2b: {  	_ =	swait.ge [sflag:s29], $0x1  }
0x2c: {  	[sflag:s29] =	ssyncadd.s32 $0xFFFFFFFF  }
0x2d: {  	_ =	strace $0x9000004B  }
0x2e: {  	_ =	sfence  }
0x2f: {  	s30 =	sld [smem:$0x0];
	_ =	sdelay $0x2  }
0x30: {  	s31 =	sshll.u32 s1, $0xD;
	s1 =	sshrl.u32 s1, $0x2  }
0x31: {  	s3 =	sand.u32 $0x4000, s31;
	s1 =	sadd.s32 s1, s30  }
0x32: {  	s0 =	sor.u32 s3, s0;
	s1 =	sshll.u32 s1, $0x11  }
0x33: {  	s0 =	sor.u32 s1, s0  }
0x34: {  	s0 =	sadd.s32 $0x8F2B, s0  }
0x35: {  	[sflag:s0] =	ssyncadd.remote.s32 $0x1  }
0x36: {  	_ =	sfence.sel $0xFFFF  }
0x37: {  	[dreg:$0x0] =	wrdreg $0xFFFFFFFF;
	(pc) =	sbr.abs _section_cstart, $3  }
0x38: {  	[dreg:$0x1] =	wrdreg $0xFFFFFFFF  }
0x39: {  	_ =	task.clear_ibuf [dreg:s7], $0x2FFFF;
	_ =	strace $0x9FFFFFFF  }
0x3a: {  	(tm) =	ssettm $0x7FFFFFFF  }
0x3b: {  	_ =	shalt  }
tec
execute0_lowered:
.L_overlay_start_1:
0x0: {  	(tag) =	ssettag $0x1  }
0x1: {  	s0 =	srdreg.scid  }
0x2: {  	s1 =	sshll.u32 s0, $0x4  }
0x3: {  	s0 =	stileid.u32;
	s1 =	sand.u32 $0x10, s1  }
0x4: {  	s1 =	sor.u32 s0, s1  }
0x5: {  	s6 =	rddreg [dreg:$0x0];
	s4 =	simm.s32 $0x1;
	s2 =	sshll.u32 s1, $0x7  }
0x6: {  	s7 =	simm.s32 $0x2;
	s12 =	simm.s32 $0x0;
	s1 =	ssub.s32 $0x1000, s2  }
0x7: {  	s8 =	simm.s32 $0x8000;
	s13 =	simm.s32 $0x0;
	s3 =	sand.u32 $0xF80, s1  }
0x8: {  	s9 =	simm.s32 $0x0;
	s5 =	sshrl.u32 s1, $0xC;
	p0 =	sne.s32 s3, $0x0  }
.Ltmp0:
0x9: {  	s1 =	rddreg [dreg:$0x2];
	s4 =	simm.s32 @!p0 $0x0;
	(pc) =	sbr.rel .LBB1_1-.Ltmp0, $4  }
0xa: {  	s11 =	simm.s32 $0x0;
	s3 =	rddreg [dreg:$0x1];
	s5 =	sadd.s32 s4, s5  }
0xb: {  	_ =	strace $0x8000004A;
	s4 =	simm.s32 $0x1;
	s5 =	smul.u32 $0xC8, s5  }
0xc: {  	s6 =	sadd.s32 $0xA00, s6;
	s10 =	smov.u32 s2;
	[sflag:s4] =	ssyncpa.u1 $0x0  }
0xd: {  	p0 =	por $0x0, $0x0;
	[sflag:s7] =	ssyncpa.u1 $0x0;
	s7 =	sor.u32 $0x1, s5  }
.LBB1_4:
0xe: {  	s16 =	sshll.u32 s13, $0x3;
	s17 =	sand.u32 $0x78, s13  }
0xf: {  	s30 =	sand.u32 $0x7E00, s13;
	s12 =	sshll.u32 s12, $0xF;
	s16 =	sand.u32 $0xC00, s16  }
0x10: {  	[tilespmem:s15+$0x810 ss:$0x81] =	vst.msk $0xffff, v2;
	s31 =	sand.u32 $0x7, s13;
	s16 =	sor.u32 s17, s16;
	s17 =	sadd.s32 s3, s30  }
0x11: {  	[tilespmem:s15+$0x1020 ss:$0x81] =	vst.msk $0xffff, v0;
	s13 =	sshll.u32 s31, $0x12;
	s12 =	sadd.s32 s12, s17;
	s16 =	sshrl.u32 s16, $0x3  }
0x12: {  	[tilespmem:s15+$0x0 ss:$0x81] =	vst.msk $0xffff, v1;
	s13 =	sor.u32 $0x400, s13;
	s12 =	sadd.s32 s16, s12  }
0x13: {  	[hbm4b:s12+s13] =	stream.strided.scatter [tilespmem:s14], [sflag:$0x2], $0x2000, s8, s13, $0x20;
	[tilespmem:$0x8080] =	vst v63  }
.LBB1_5:
0x14: {  	s14 =	sadd.s32 $0x1, s9  }
0x15: {  	s12 =	sadd.s32 $0x1000, s10;
	s16 =	smov.u32 s10;
	p2 =	sgt.s32 s14, $0xC7  }
0x16: {  	s16 =	smov.u32 @p2 s12  }
0x17: {  	s14 =	simm.s32 @p2 $0x0;
	p2 =	sgt.s32 s16, $0xFFF  }
0x18: {  	s16 =	smov.u32 @p2 s2;
	p2 =	sne.s32 s11, s7  }
.Ltmp1:
0x19: {  	p1 =	slt.u32 s11, $0x2;
	(pc) =	sbr.rel @!p2 .LBB1_6-.Ltmp1, $4  }
0x1a: {  	s15 =	simm.s32 @!p1 $0x2  }
0x1b: {  	s13 =	smov.u32 s10;
	p0 =	por !p0, !p0;
	_ =	swait.ge @!p1 [sflag:s15], $0x2000  }
0x1c: {  	s12 =	smov.u32 s9;
	[sflag:s15] =	ssyncset.done @!p1 $0x0;
	s9 =	smov.u32 s14  }
0x1d: {  	s11 =	sadd.s32 $0x1, s11;
	[sflag:s15] =	ssyncadd.s32 @!p1 $0xFFFFE000;
	s10 =	smov.u32 s16  }
.LBB1_1:
0x1e: {  	p1 =	sge.u32 s11, s5  }
0x1f: {  	s14 =	sand.u32 @!p1 $0x1FFFFFF, s9  }
0x20: {  	s15 =	smulhi.u32 @!p1 $0x147AE15, s14;
	_ =	sdelay $0x1  }
0x21: {  	s15 =	smul.u32 @!p1 $0xC8, s15  }
0x22: {  	s16 =	sxor.u32 @!p1 $0xFFFFFFFF, s11;
	s17 =	smul.u32 @!p1 $0xC80, s10  }
0x23: {  	s31 =	sadd.s32 $0xFFFFFFFF, s11;
	s16 =	sshll.u32 @!p1 s16, $0xD;
	s14 =	ssub.s32 @!p1 s14, s15  }
0x24: {  	s15 =	sand.u32 @!p1 $0x2000, s16;
	s16 =	sadd.s32 @!p1 s6, s17;
	s14 =	sshll.u32 @!p1 s14, $0x4  }
0x25: {  	s17 =	simm.s32 @!p1 $0x6400;
	s14 =	sadd.s32 @!p1 s14, s16;
	s16 =	simm.s32 @!p1 $0x40  }
0x26: {  	[tilespmem:s15], [sflag:$0x1] =	stream.strided.gather @!p1 [hbm4b:s14+s16], $0x2000, s17, s16, $0x38;
	[tilespmem:$0x8080] =	vst v63  }
0x27: {  	p1 =	sge.u32 s31, s5  }
.Ltmp2:
0x28: {  	_ = 	snop;
	(pc) =	sbr.rel @p1 .LBB1_5-.Ltmp2, $1  }
0x29: {  	_ =	sdelay $0x3  }
0x2a: {  	s14 =	simm.s32 $0x1  }
0x2b: {  	_ =	swait.ge [sflag:s4], $0x2000;
	s14 =	simm.s32 @!p0 $0x0  }
0x2c: {  	[sflag:s4] =	ssyncset.done $0x0;
	s15 =	sshll.u32 s14, $0xD  }
0x2d: {  	[sflag:s4] =	ssyncadd.s32 $0xFFFFE000;
	s18 =	sor.u32 $0x20, s15  }
0x2e: {  	s14 =	smul.u32 $0x8100, s14;
	v3 =	vld [tilespmem:s18+$0x10]  }
0x2f: {  	s30 =	sand.u32 $0x1, s11;
	v2 =	vld [tilespmem:s18+$0xFFFFFFF0]  }
0x30: {  	s15 =	smul.u32 $0x8100, s30;
	s14 =	sshrl.u32 s14, $0x2;
	v0 =	vld [tilespmem:s18+$0x0]  }
0x31: {  	v1 =	vld [tilespmem:s18+$0xFFFFFFE0];
	s16 =	sor.u32 $0x4000, s14  }
0x32: {  	s31 =	sshrl.u32 s15, $0x2;
	s15 =	sadd.s32 $0x0, s16  }
0x33: {  	s17 =	simm.s32 $0x4;
	s18 =	sadd.s32 $0x40, s18;
	s14 =	sor.u32 $0x4000, s31;
	[tilespmem:s15+$0x1830 ss:$0x81] =	vst.msk $0xffff, v3  }
.LBB1_3:
0x34: {  	v3 =	vld [tilespmem:s18+$0x10];
	p1 =	sne.s32 s17, $0x1FC;
	[tilespmem:s15+$0x810 ss:$0x81] =	vst.msk $0xffff, v2;
	s19 =	smov.u32 s17;
	s17 =	sadd.s32 $0x4, s17  }
.Ltmp3:
0x35: {  	v2 =	vld [tilespmem:s18+$0xFFFFFFF0];
	[tilespmem:s15+$0x1020 ss:$0x81] =	vst.msk $0xffff, v0;
	(pc) =	sbr.rel @p1 .LBB1_3-.Ltmp3, $4  }
0x36: {  	v0 =	vld [tilespmem:s18+$0x0];
	[tilespmem:s15+$0x0 ss:$0x81] =	vst.msk $0xffff, v1  }
0x37: {  	s15 =	sshra.s32 s19, $0x2;
	v1 =	vld [tilespmem:s18+$0xFFFFFFE0]  }
0x38: {  	s15 =	sadd.s32 s15, s16  }
0x39: {  	s18 =	sadd.s32 $0x40, s18;
	[tilespmem:s15+$0x1830 ss:$0x81] =	vst.msk $0xffff, v3  }
.Ltmp4:
0x3a: {  	_ = 	snop;
	(pc) =	sbr.rel .LBB1_4-.Ltmp4, $1  }
0x3b: {  	_ =	sdelay $0x3  }
.LBB1_6:
0x3c: {  	_ =	sfence.sel $0x180000  }
0x3d: {  	s2 =	simm.s32 $0x1;
	[bflag:$0x0] =	sbarrier.arrive $0xFFFF  }
0x3e: {  	s31 =	simm.s32 $0x2;
	[sflag:s2] =	ssyncpa.u1 $0x1  }
0x3f: {  	[sflag:s31] =	ssyncpa.u1 $0x1  }
0x40: {  	p0 =	sne.s32 s0, $0x0;
	_ =	strace $0x9000004A  }
0x41: {  	s0 =	sadd.s32 @!p0 $0x100000, s1;
	[bflag:$0x2] =	sbarrier.arrive $0xFFFF  }
0x42: {  	[sflag:s0] =	ssyncadd.tile.s32 @!p0 $0x1;
	_ =	shalt  }
.Lfunc_end1:
_tile_overlayer_lowered:
.L_overlay_start_2:
0x43: {  	(tag) =	ssettag $0x2  }
0x44: {  	s0 =	rddreg [dreg:$0x0];
	s2 =	stileid.u32  }
0x45: {  	s1 =	rddreg [dreg:$0x1];
	p0 =	sne.s32 s2, $0x0  }
0x46: {  	s3 =	rddreg [dreg:$0x2];
	[bflag:$0x3] =	sbarrier.arrive $0xFFFF;
	s2 =	simm.s32 @!p0 $0x1C01  }
0x47: {  	[timem:s3], [sflag:s2] =	dma.local @!p0 [hbm:s0], s1  }
0x48: {  	s0 =	simm.s32 @!p0 $0x1  }
0x49: {  	_ =	swait.ge @!p0 [sflag:s0], s1  }
0x4a: {  	s1 =	ssub.s32 @!p0 $0x0, s1;
	[sflag:s0] =	ssyncset.done @!p0 $0x0  }
0x4b: {  	[sflag:s0] =	ssyncadd.s32 @!p0 s1  }
0x4c: {  	[bflag:$0x3] =	sbarrier.arrive $0xFFFF  }
0x4d: {  	_ =	shalt  }

</sc_bundles>
